<compile_context>
chip_gen: v7x
topology: tpu7x:2x2x1
jax: 0.10.2.dev20260603
libtpu: 0.0.44.dev20260713+nightly
codegen_flags: <defaults>
</compile_context>

<pallas_src>
import functools

import jax
import jax.numpy as jnp
from jax import lax
from jax.experimental import pallas as pl
from jax.experimental.pallas import tpu as pltpu
from jax.experimental.pallas import tpu_sc as plsc

_BATCH = 16384
_NUM_GENS = 1000
_LANES = 16
_NBLK = 4


@functools.cache
def _build(num_cores, num_subcores, batch):
    n_workers = num_cores * num_subcores
    chunk = batch // n_workers
    blk = chunk // _NBLK
    mesh = plsc.VectorSubcoreMesh(
        core_axis_name="c", subcore_axis_name="s", num_cores=num_cores)

    @functools.partial(
        pl.kernel,
        mesh=mesh,
        out_type=jax.ShapeDtypeStruct((batch,), jnp.float32),
        compiler_params=pltpu.CompilerParams(needs_layout_passes=False),
        scratch_types=[
            pltpu.VMEM((_NUM_GENS,), jnp.float32),
            pltpu.VMEM((chunk,), jnp.int32),
            pltpu.VMEM((chunk,), jnp.float32),
            pltpu.VMEM((chunk,), jnp.float32),
            pltpu.VMEM((chunk,), jnp.float32),
            pltpu.VMEM((2 * _LANES,), jnp.float32),
            pltpu.SemaphoreType.DMA,
            pltpu.SemaphoreType.DMA,
        ],
    )
    def k(tbl_hbm, idx_hbm, clk_hbm, tdp_hbm, cd_hbm, out_hbm,
          tbl_v, idx_v, clk_v, tdp_v, out_v, cd_v, sem_in, sem_out):
        wid = lax.axis_index("s") * num_cores + lax.axis_index("c")
        base = wid * chunk
        cp0 = pltpu.async_copy(tbl_hbm, tbl_v, sem_in)
        cp1 = pltpu.async_copy(idx_hbm.at[pl.ds(base, chunk)], idx_v, sem_in)
        cp2 = pltpu.async_copy(clk_hbm.at[pl.ds(base, chunk)], clk_v, sem_in)
        cp3 = pltpu.async_copy(tdp_hbm.at[pl.ds(base, chunk)], tdp_v, sem_in)
        cp4 = pltpu.async_copy(cd_hbm, cd_v, sem_in)
        cp0.wait()
        cp1.wait()
        cp2.wait()
        cp3.wait()
        cp4.wait()
        cc = cd_v[pl.ds(0, _LANES)]
        dd = cd_v[pl.ds(_LANES, _LANES)]
        stores = []
        for b in range(_NBLK):
            for j in range(b * blk // _LANES, (b + 1) * blk // _LANES):
                sl = pl.ds(j * _LANES, _LANES)
                vals = plsc.load_gather(tbl_v, [idx_v[sl]])
                out_v[sl] = vals + cc * clk_v[sl] + dd * tdp_v[sl]
            stores.append(pltpu.async_copy(
                out_v.at[pl.ds(b * blk, blk)],
                out_hbm.at[pl.ds(base + b * blk, blk)], sem_out))
        for cp in stores:
            cp.wait()

    return k


def kernel(x_gen, x_ix, x_max_clock_speed, x_max_tdp, gen_map, b, c, d):
    info = plsc.get_sparse_core_info()
    cd = jnp.concatenate([
        jnp.full((_LANES,), c, jnp.float32),
        jnp.full((_LANES,), d, jnp.float32),
    ])
    k = _build(1, info.num_subcores, _BATCH)
    return k(gen_map, x_gen, x_max_clock_speed, x_max_tdp, cd)

# --- scband reference (transcript-rebuilt; emitter-appended) ---
"""Pipeline reference for scband-model-64364379898151 (READ-ONLY COPY).

The authoritative reference and input builder live on the scoring server;
editing this copy changes nothing except your own understanding.
"""

import jax, jax.numpy as jnp
import numpy as np

NUM_GENS = 1000
BATCH = 16384

def setup_inputs(seed: int = 0) -> dict:
    key = jax.random.key(seed)
    k1, k2, k3, k4, k5, k6, k7, k8 = jax.random.split(key, 8)
    x_gen = jax.random.randint(k1, (BATCH,), 0, NUM_GENS, dtype=jnp.int64 if jax.config.jax_enable_x64 else jnp.int32).astype(jnp.int32)
    x_ix = jax.random.randint(k2, (BATCH,), 0, BATCH).astype(jnp.int32)
    x_max_clock_speed = jax.random.uniform(k3, (BATCH,), dtype=jnp.float32)
    x_max_tdp = jax.random.uniform(k4, (BATCH,), dtype=jnp.float32)
    gen_map = jax.random.normal(k5, (NUM_GENS,), dtype=jnp.float32)
    b = jax.random.normal(k6, (), dtype=jnp.float32)
    c = jax.random.normal(k7, (), dtype=jnp.float32)
    d = jax.random.normal(k8, (), dtype=jnp.float32)
    return {"x_gen": x_gen, "x_ix": x_ix, "x_max_clock_speed": x_max_clock_speed, "x_max_tdp": x_max_tdp, "gen_map": gen_map, "b": b, "c": c, "d": d}

def reference(x_gen, x_ix, x_max_clock_speed, x_max_tdp, gen_map, b, c, d):
    # Faithful translation: one_hot(x_gen, num_gens) * gen_map summed over dim 1,
    # plus c * clock_speed + d * tdp. (b and x_ix are unused, as in the original.)
    oh = jax.nn.one_hot(x_gen, NUM_GENS, dtype=gen_map.dtype)
    return jnp.sum(oh * gen_map, axis=1) + c * x_max_clock_speed + d * x_max_tdp

if __name__ == "__main__":
    import jax
    _d = setup_inputs()
    print(jax.jit(kernel)(*tuple(_d.values())))

</pallas_src>

<mosaic_0001>
#map = affine_map<(d0, d1) -> (0)>
module attributes {stable_mosaic.version = 14 : i64} {
  func.func @k(%arg0: i32, %arg1: i32, %arg2: memref<1000xf32, #tpu.memory_space<hbm>>, %arg3: memref<16384xi32, #tpu.memory_space<hbm>>, %arg4: memref<16384xf32, #tpu.memory_space<hbm>>, %arg5: memref<16384xf32, #tpu.memory_space<hbm>>, %arg6: memref<32xf32, #tpu.memory_space<hbm>>, %arg7: memref<16384xf32, #tpu.memory_space<hbm>>, %arg8: memref<1000xf32, #tpu.memory_space<vmem>>, %arg9: memref<1024xi32, #tpu.memory_space<vmem>>, %arg10: memref<1024xf32, #tpu.memory_space<vmem>>, %arg11: memref<1024xf32, #tpu.memory_space<vmem>>, %arg12: memref<1024xf32, #tpu.memory_space<vmem>>, %arg13: memref<32xf32, #tpu.memory_space<vmem>>, %arg14: memref<!tpu.dma_semaphore, #tpu.memory_space<semaphore_mem>>, %arg15: memref<!tpu.dma_semaphore, #tpu.memory_space<semaphore_mem>>) attributes {dimension_semantics = [#tpu.dimension_semantics<core_parallel>, #tpu.dimension_semantics<subcore_parallel>], iteration_bounds = array<i64: 1, 16>, scalar_prefetch = 0 : i64, scratch_operands = 8 : i64, tpu.core_type = #tpu.core_type<sc_vector_subcore>, window_params = [{transform_indices = #map}, {transform_indices = #map}, {transform_indices = #map}, {transform_indices = #map}, {transform_indices = #map}, {transform_indices = #map}]} {
    %mul3A = arith.constant 1 : i32
    %mul3A_0 = arith.muli %arg1, %mul3A : i32
    %add3A = arith.addi %mul3A_0, %arg0 : i32
    %mul3A_1 = arith.constant 1024 : i32
    %mul3A_2 = arith.muli %add3A, %mul3A_1 : i32
    tpu.enqueue_dma source(%arg2 : memref<1000xf32, #tpu.memory_space<hbm>>) target(%arg8 : memref<1000xf32, #tpu.memory_space<vmem>>) target_semaphore(%arg14 : memref<!tpu.dma_semaphore, #tpu.memory_space<semaphore_mem>>)
    %dma_start3A = tpu.memref_slice %arg3[%mul3A_2] : memref<16384xi32, #tpu.memory_space<hbm>> -> memref<1024xi32, #tpu.memory_space<hbm>>
    %dma_start3A_3 = tpu.memref_slice %arg3[%mul3A_2] : memref<16384xi32, #tpu.memory_space<hbm>> -> memref<1024xi32, #tpu.memory_space<hbm>>
    tpu.enqueue_dma source(%dma_start3A_3 : memref<1024xi32, #tpu.memory_space<hbm>>) target(%arg9 : memref<1024xi32, #tpu.memory_space<vmem>>) target_semaphore(%arg14 : memref<!tpu.dma_semaphore, #tpu.memory_space<semaphore_mem>>)
    %dma_start3A_4 = tpu.memref_slice %arg4[%mul3A_2] : memref<16384xf32, #tpu.memory_space<hbm>> -> memref<1024xf32, #tpu.memory_space<hbm>>
    %dma_start3A_5 = tpu.memref_slice %arg4[%mul3A_2] : memref<16384xf32, #tpu.memory_space<hbm>> -> memref<1024xf32, #tpu.memory_space<hbm>>
    tpu.enqueue_dma source(%dma_start3A_5 : memref<1024xf32, #tpu.memory_space<hbm>>) target(%arg10 : memref<1024xf32, #tpu.memory_space<vmem>>) target_semaphore(%arg14 : memref<!tpu.dma_semaphore, #tpu.memory_space<semaphore_mem>>)
    %dma_start3A_6 = tpu.memref_slice %arg5[%mul3A_2] : memref<16384xf32, #tpu.memory_space<hbm>> -> memref<1024xf32, #tpu.memory_space<hbm>>
    %dma_start3A_7 = tpu.memref_slice %arg5[%mul3A_2] : memref<16384xf32, #tpu.memory_space<hbm>> -> memref<1024xf32, #tpu.memory_space<hbm>>
    tpu.enqueue_dma source(%dma_start3A_7 : memref<1024xf32, #tpu.memory_space<hbm>>) target(%arg11 : memref<1024xf32, #tpu.memory_space<vmem>>) target_semaphore(%arg14 : memref<!tpu.dma_semaphore, #tpu.memory_space<semaphore_mem>>)
    tpu.enqueue_dma source(%arg6 : memref<32xf32, #tpu.memory_space<hbm>>) target(%arg13 : memref<32xf32, #tpu.memory_space<vmem>>) target_semaphore(%arg14 : memref<!tpu.dma_semaphore, #tpu.memory_space<semaphore_mem>>)
    tpu.wait_dma2 semaphore(%arg14 : memref<!tpu.dma_semaphore, #tpu.memory_space<semaphore_mem>>) src(%arg2 : memref<1000xf32, #tpu.memory_space<hbm>>) dst(%arg8 : memref<1000xf32, #tpu.memory_space<vmem>>)
    %dma_wait3A = tpu.memref_slice %arg3[%mul3A_2] : memref<16384xi32, #tpu.memory_space<hbm>> -> memref<1024xi32, #tpu.memory_space<hbm>>
    %dma_wait3A_8 = tpu.memref_slice %arg3[%mul3A_2] : memref<16384xi32, #tpu.memory_space<hbm>> -> memref<1024xi32, #tpu.memory_space<hbm>>
    tpu.wait_dma2 semaphore(%arg14 : memref<!tpu.dma_semaphore, #tpu.memory_space<semaphore_mem>>) src(%dma_wait3A_8 : memref<1024xi32, #tpu.memory_space<hbm>>) dst(%arg9 : memref<1024xi32, #tpu.memory_space<vmem>>)
    %dma_wait3A_9 = tpu.memref_slice %arg4[%mul3A_2] : memref<16384xf32, #tpu.memory_space<hbm>> -> memref<1024xf32, #tpu.memory_space<hbm>>
    %dma_wait3A_10 = tpu.memref_slice %arg4[%mul3A_2] : memref<16384xf32, #tpu.memory_space<hbm>> -> memref<1024xf32, #tpu.memory_space<hbm>>
    tpu.wait_dma2 semaphore(%arg14 : memref<!tpu.dma_semaphore, #tpu.memory_space<semaphore_mem>>) src(%dma_wait3A_10 : memref<1024xf32, #tpu.memory_space<hbm>>) dst(%arg10 : memref<1024xf32, #tpu.memory_space<vmem>>)
    %dma_wait3A_11 = tpu.memref_slice %arg5[%mul3A_2] : memref<16384xf32, #tpu.memory_space<hbm>> -> memref<1024xf32, #tpu.memory_space<hbm>>
    %dma_wait3A_12 = tpu.memref_slice %arg5[%mul3A_2] : memref<16384xf32, #tpu.memory_space<hbm>> -> memref<1024xf32, #tpu.memory_space<hbm>>
    tpu.wait_dma2 semaphore(%arg14 : memref<!tpu.dma_semaphore, #tpu.memory_space<semaphore_mem>>) src(%dma_wait3A_12 : memref<1024xf32, #tpu.memory_space<hbm>>) dst(%arg11 : memref<1024xf32, #tpu.memory_space<vmem>>)
    tpu.wait_dma2 semaphore(%arg14 : memref<!tpu.dma_semaphore, #tpu.memory_space<semaphore_mem>>) src(%arg6 : memref<32xf32, #tpu.memory_space<hbm>>) dst(%arg13 : memref<32xf32, #tpu.memory_space<vmem>>)
    %get3A = arith.constant 0 : index
    %get3A_13 = tpu.vector_load %arg13[%get3A] {strides = array<i32>} : memref<32xf32, #tpu.memory_space<vmem>>, vector<16xf32>,
    %get3A_14 = arith.constant 16 : index
    %get3A_15 = tpu.vector_load %arg13[%get3A_14] {strides = array<i32>} : memref<32xf32, #tpu.memory_space<vmem>>, vector<16xf32>,
    %get3A_16 = arith.constant 0 : index
    %get3A_17 = tpu.vector_load %arg9[%get3A_16] {strides = array<i32>} : memref<1024xi32, #tpu.memory_space<vmem>>, vector<16xi32>,
    %gather3A = tpu.vector_load_idx %arg8[%get3A_17] : memref<1000xf32, #tpu.memory_space<vmem>>[vector<16xi32>], vector<16xf32>,
    %get3A_18 = arith.constant 0 : index
    %get3A_19 = tpu.vector_load %arg10[%get3A_18] {strides = array<i32>} : memref<1024xf32, #tpu.memory_space<vmem>>, vector<16xf32>,
    %mul3A_20 = arith.mulf %get3A_13, %get3A_19 : vector<16xf32>
    %add3A_21 = arith.addf %gather3A, %mul3A_20 : vector<16xf32>
    %get3A_22 = arith.constant 0 : index
    %get3A_23 = tpu.vector_load %arg11[%get3A_22] {strides = array<i32>} : memref<1024xf32, #tpu.memory_space<vmem>>, vector<16xf32>,
    %mul3A_24 = arith.mulf %get3A_15, %get3A_23 : vector<16xf32>
    %add3A_25 = arith.addf %add3A_21, %mul3A_24 : vector<16xf32>
    %swap3A = arith.constant 0 : index
    %swap3A_26 = tpu.vector_load %arg12[%swap3A] {strides = array<i32>} : memref<1024xf32, #tpu.memory_space<vmem>>, vector<16xf32>,
    tpu.vector_store %arg12[%swap3A], %add3A_25 {strides = array<i32>} : memref<1024xf32, #tpu.memory_space<vmem>>, vector<16xf32>,
    %get3A_27 = arith.constant 16 : index
    %get3A_28 = tpu.vector_load %arg9[%get3A_27] {strides = array<i32>} : memref<1024xi32, #tpu.memory_space<vmem>>, vector<16xi32>,
    %gather3A_29 = tpu.vector_load_idx %arg8[%get3A_28] : memref<1000xf32, #tpu.memory_space<vmem>>[vector<16xi32>], vector<16xf32>,
    %get3A_30 = arith.constant 16 : index
    %get3A_31 = tpu.vector_load %arg10[%get3A_30] {strides = array<i32>} : memref<1024xf32, #tpu.memory_space<vmem>>, vector<16xf32>,
    %mul3A_32 = arith.mulf %get3A_13, %get3A_31 : vector<16xf32>
    %add3A_33 = arith.addf %gather3A_29, %mul3A_32 : vector<16xf32>
    %get3A_34 = arith.constant 16 : index
    %get3A_35 = tpu.vector_load %arg11[%get3A_34] {strides = array<i32>} : memref<1024xf32, #tpu.memory_space<vmem>>, vector<16xf32>,
    %mul3A_36 = arith.mulf %get3A_15, %get3A_35 : vector<16xf32>
    %add3A_37 = arith.addf %add3A_33, %mul3A_36 : vector<16xf32>
    %swap3A_38 = arith.constant 16 : index
    %swap3A_39 = tpu.vector_load %arg12[%swap3A_38] {strides = array<i32>} : memref<1024xf32, #tpu.memory_space<vmem>>, vector<16xf32>,
    tpu.vector_store %arg12[%swap3A_38], %add3A_37 {strides = array<i32>} : memref<1024xf32, #tpu.memory_space<vmem>>, vector<16xf32>,
    %get3A_40 = arith.constant 32 : index
    %get3A_41 = tpu.vector_load %arg9[%get3A_40] {strides = array<i32>} : memref<1024xi32, #tpu.memory_space<vmem>>, vector<16xi32>,
    %gather3A_42 = tpu.vector_load_idx %arg8[%get3A_41] : memref<1000xf32, #tpu.memory_space<vmem>>[vector<16xi32>], vector<16xf32>,
    %get3A_43 = arith.constant 32 : index
    %get3A_44 = tpu.vector_load %arg10[%get3A_43] {strides = array<i32>} : memref<1024xf32, #tpu.memory_space<vmem>>, vector<16xf32>,
    %mul3A_45 = arith.mulf %get3A_13, %get3A_44 : vector<16xf32>
    %add3A_46 = arith.addf %gather3A_42, %mul3A_45 : vector<16xf32>
    %get3A_47 = arith.constant 32 : index
    %get3A_48 = tpu.vector_load %arg11[%get3A_47] {strides = array<i32>} : memref<1024xf32, #tpu.memory_space<vmem>>, vector<16xf32>,
    %mul3A_49 = arith.mulf %get3A_15, %get3A_48 : vector<16xf32>
    %add3A_50 = arith.addf %add3A_46, %mul3A_49 : vector<16xf32>
    %swap3A_51 = arith.constant 32 : index
    %swap3A_52 = tpu.vector_load %arg12[%swap3A_51] {strides = array<i32>} : memref<1024xf32, #tpu.memory_space<vmem>>, vector<16xf32>,
    tpu.vector_store %arg12[%swap3A_51], %add3A_50 {strides = array<i32>} : memref<1024xf32, #tpu.memory_space<vmem>>, vector<16xf32>,
    %get3A_53 = arith.constant 48 : index
    %get3A_54 = tpu.vector_load %arg9[%get3A_53] {strides = array<i32>} : memref<1024xi32, #tpu.memory_space<vmem>>, vector<16xi32>,
    %gather3A_55 = tpu.vector_load_idx %arg8[%get3A_54] : memref<1000xf32, #tpu.memory_space<vmem>>[vector<16xi32>], vector<16xf32>,
    %get3A_56 = arith.constant 48 : index
    %get3A_57 = tpu.vector_load %arg10[%get3A_56] {strides = array<i32>} : memref<1024xf32, #tpu.memory_space<vmem>>, vector<16xf32>,
    %mul3A_58 = arith.mulf %get3A_13, %get3A_57 : vector<16xf32>
    %add3A_59 = arith.addf %gather3A_55, %mul3A_58 : vector<16xf32>
    %get3A_60 = arith.constant 48 : index
    %get3A_61 = tpu.vector_load %arg11[%get3A_60] {strides = array<i32>} : memref<1024xf32, #tpu.memory_space<vmem>>, vector<16xf32>,
    %mul3A_62 = arith.mulf %get3A_15, %get3A_61 : vector<16xf32>
    %add3A_63 = arith.addf %add3A_59, %mul3A_62 : vector<16xf32>
    %swap3A_64 = arith.constant 48 : index
    %swap3A_65 = tpu.vector_load %arg12[%swap3A_64] {strides = array<i32>} : memref<1024xf32, #tpu.memory_space<vmem>>, vector<16xf32>,
    tpu.vector_store %arg12[%swap3A_64], %add3A_63 {strides = array<i32>} : memref<1024xf32, #tpu.memory_space<vmem>>, vector<16xf32>,
    %get3A_66 = arith.constant 64 : index
    %get3A_67 = tpu.vector_load %arg9[%get3A_66] {strides = array<i32>} : memref<1024xi32, #tpu.memory_space<vmem>>, vector<16xi32>,
    %gather3A_68 = tpu.vector_load_idx %arg8[%get3A_67] : memref<1000xf32, #tpu.memory_space<vmem>>[vector<16xi32>], vector<16xf32>,
    %get3A_69 = arith.constant 64 : index
    %get3A_70 = tpu.vector_load %arg10[%get3A_69] {strides = array<i32>} : memref<1024xf32, #tpu.memory_space<vmem>>, vector<16xf32>,
    %mul3A_71 = arith.mulf %get3A_13, %get3A_70 : vector<16xf32>
    %add3A_72 = arith.addf %gather3A_68, %mul3A_71 : vector<16xf32>
    %get3A_73 = arith.constant 64 : index
    %get3A_74 = tpu.vector_load %arg11[%get3A_73] {strides = array<i32>} : memref<1024xf32, #tpu.memory_space<vmem>>, vector<16xf32>,
    %mul3A_75 = arith.mulf %get3A_15, %get3A_74 : vector<16xf32>
    %add3A_76 = arith.addf %add3A_72, %mul3A_75 : vector<16xf32>
    %swap3A_77 = arith.constant 64 : index
    %swap3A_78 = tpu.vector_load %arg12[%swap3A_77] {strides = array<i32>} : memref<1024xf32, #tpu.memory_space<vmem>>, vector<16xf32>,
    tpu.vector_store %arg12[%swap3A_77], %add3A_76 {strides = array<i32>} : memref<1024xf32, #tpu.memory_space<vmem>>, vector<16xf32>,
    %get3A_79 = arith.constant 80 : index
    %get3A_80 = tpu.vector_load %arg9[%get3A_79] {strides = array<i32>} : memref<1024xi32, #tpu.memory_space<vmem>>, vector<16xi32>,
    %gather3A_81 = tpu.vector_load_idx %arg8[%get3A_80] : memref<1000xf32, #tpu.memory_space<vmem>>[vector<16xi32>], vector<16xf32>,
    %get3A_82 = arith.constant 80 : index
    %get3A_83 = tpu.vector_load %arg10[%get3A_82] {strides = array<i32>} : memref<1024xf32, #tpu.memory_space<vmem>>, vector<16xf32>,
    %mul3A_84 = arith.mulf %get3A_13, %get3A_83 : vector<16xf32>
    %add3A_85 = arith.addf %gather3A_81, %mul3A_84 : vector<16xf32>
    %get3A_86 = arith.constant 80 : index
    %get3A_87 = tpu.vector_load %arg11[%get3A_86] {strides = array<i32>} : memref<1024xf32, #tpu.memory_space<vmem>>, vector<16xf32>,
    %mul3A_88 = arith.mulf %get3A_15, %get3A_87 : vector<16xf32>
    %add3A_89 = arith.addf %add3A_85, %mul3A_88 : vector<16xf32>
    %swap3A_90 = arith.constant 80 : index
    %swap3A_91 = tpu.vector_load %arg12[%swap3A_90] {strides = array<i32>} : memref<1024xf32, #tpu.memory_space<vmem>>, vector<16xf32>,
    tpu.vector_store %arg12[%swap3A_90], %add3A_89 {strides = array<i32>} : memref<1024xf32, #tpu.memory_space<vmem>>, vector<16xf32>,
    %get3A_92 = arith.constant 96 : index
    %get3A_93 = tpu.vector_load %arg9[%get3A_92] {strides = array<i32>} : memref<1024xi32, #tpu.memory_space<vmem>>, vector<16xi32>,
    %gather3A_94 = tpu.vector_load_idx %arg8[%get3A_93] : memref<1000xf32, #tpu.memory_space<vmem>>[vector<16xi32>], vector<16xf32>,
    %get3A_95 = arith.constant 96 : index
    %get3A_96 = tpu.vector_load %arg10[%get3A_95] {strides = array<i32>} : memref<1024xf32, #tpu.memory_space<vmem>>, vector<16xf32>,
    %mul3A_97 = arith.mulf %get3A_13, %get3A_96 : vector<16xf32>
    %add3A_98 = arith.addf %gather3A_94, %mul3A_97 : vector<16xf32>
    %get3A_99 = arith.constant 96 : index
    %get3A_100 = tpu.vector_load %arg11[%get3A_99] {strides = array<i32>} : memref<1024xf32, #tpu.memory_space<vmem>>, vector<16xf32>,
    %mul3A_101 = arith.mulf %get3A_15, %get3A_100 : vector<16xf32>
    %add3A_102 = arith.addf %add3A_98, %mul3A_101 : vector<16xf32>
    %swap3A_103 = arith.constant 96 : index
    %swap3A_104 = tpu.vector_load %arg12[%swap3A_103] {strides = array<i32>} : memref<1024xf32, #tpu.memory_space<vmem>>, vector<16xf32>,
    tpu.vector_store %arg12[%swap3A_103], %add3A_102 {strides = array<i32>} : memref<1024xf32, #tpu.memory_space<vmem>>, vector<16xf32>,
    %get3A_105 = arith.constant 112 : index
    %get3A_106 = tpu.vector_load %arg9[%get3A_105] {strides = array<i32>} : memref<1024xi32, #tpu.memory_space<vmem>>, vector<16xi32>,
    %gather3A_107 = tpu.vector_load_idx %arg8[%get3A_106] : memref<1000xf32, #tpu.memory_space<vmem>>[vector<16xi32>], vector<16xf32>,
    %get3A_108 = arith.constant 112 : index
    %get3A_109 = tpu.vector_load %arg10[%get3A_108] {strides = array<i32>} : memref<1024xf32, #tpu.memory_space<vmem>>, vector<16xf32>,
    %mul3A_110 = arith.mulf %get3A_13, %get3A_109 : vector<16xf32>
    %add3A_111 = arith.addf %gather3A_107, %mul3A_110 : vector<16xf32>
    %get3A_112 = arith.constant 112 : index
    %get3A_113 = tpu.vector_load %arg11[%get3A_112] {strides = array<i32>} : memref<1024xf32, #tpu.memory_space<vmem>>, vector<16xf32>,
    %mul3A_114 = arith.mulf %get3A_15, %get3A_113 : vector<16xf32>
    %add3A_115 = arith.addf %add3A_111, %mul3A_114 : vector<16xf32>
    %swap3A_116 = arith.constant 112 : index
    %swap3A_117 = tpu.vector_load %arg12[%swap3A_116] {strides = array<i32>} : memref<1024xf32, #tpu.memory_space<vmem>>, vector<16xf32>,
    tpu.vector_store %arg12[%swap3A_116], %add3A_115 {strides = array<i32>} : memref<1024xf32, #tpu.memory_space<vmem>>, vector<16xf32>,
    %get3A_118 = arith.constant 128 : index
    %get3A_119 = tpu.vector_load %arg9[%get3A_118] {strides = array<i32>} : memref<1024xi32, #tpu.memory_space<vmem>>, vector<16xi32>,
    %gather3A_120 = tpu.vector_load_idx %arg8[%get3A_119] : memref<1000xf32, #tpu.memory_space<vmem>>[vector<16xi32>], vector<16xf32>,
    %get3A_121 = arith.constant 128 : index
    %get3A_122 = tpu.vector_load %arg10[%get3A_121] {strides = array<i32>} : memref<1024xf32, #tpu.memory_space<vmem>>, vector<16xf32>,
    %mul3A_123 = arith.mulf %get3A_13, %get3A_122 : vector<16xf32>
    %add3A_124 = arith.addf %gather3A_120, %mul3A_123 : vector<16xf32>
    %get3A_125 = arith.constant 128 : index
    %get3A_126 = tpu.vector_load %arg11[%get3A_125] {strides = array<i32>} : memref<1024xf32, #tpu.memory_space<vmem>>, vector<16xf32>,
    %mul3A_127 = arith.mulf %get3A_15, %get3A_126 : vector<16xf32>
    %add3A_128 = arith.addf %add3A_124, %mul3A_127 : vector<16xf32>
    %swap3A_129 = arith.constant 128 : index
    %swap3A_130 = tpu.vector_load %arg12[%swap3A_129] {strides = array<i32>} : memref<1024xf32, #tpu.memory_space<vmem>>, vector<16xf32>,
    tpu.vector_store %arg12[%swap3A_129], %add3A_128 {strides = array<i32>} : memref<1024xf32, #tpu.memory_space<vmem>>, vector<16xf32>,
    %get3A_131 = arith.constant 144 : index
    %get3A_132 = tpu.vector_load %arg9[%get3A_131] {strides = array<i32>} : memref<1024xi32, #tpu.memory_space<vmem>>, vector<16xi32>,
    %gather3A_133 = tpu.vector_load_idx %arg8[%get3A_132] : memref<1000xf32, #tpu.memory_space<vmem>>[vector<16xi32>], vector<16xf32>,
    %get3A_134 = arith.constant 144 : index
    %get3A_135 = tpu.vector_load %arg10[%get3A_134] {strides = array<i32>} : memref<1024xf32, #tpu.memory_space<vmem>>, vector<16xf32>,
    %mul3A_136 = arith.mulf %get3A_13, %get3A_135 : vector<16xf32>
    %add3A_137 = arith.addf %gather3A_133, %mul3A_136 : vector<16xf32>
    %get3A_138 = arith.constant 144 : index
    %get3A_139 = tpu.vector_load %arg11[%get3A_138] {strides = array<i32>} : memref<1024xf32, #tpu.memory_space<vmem>>, vector<16xf32>,
    %mul3A_140 = arith.mulf %get3A_15, %get3A_139 : vector<16xf32>
    %add3A_141 = arith.addf %add3A_137, %mul3A_140 : vector<16xf32>
    %swap3A_142 = arith.constant 144 : index
    %swap3A_143 = tpu.vector_load %arg12[%swap3A_142] {strides = array<i32>} : memref<1024xf32, #tpu.memory_space<vmem>>, vector<16xf32>,
    tpu.vector_store %arg12[%swap3A_142], %add3A_141 {strides = array<i32>} : memref<1024xf32, #tpu.memory_space<vmem>>, vector<16xf32>,
    %get3A_144 = arith.constant 160 : index
    %get3A_145 = tpu.vector_load %arg9[%get3A_144] {strides = array<i32>} : memref<1024xi32, #tpu.memory_space<vmem>>, vector<16xi32>,
    %gather3A_146 = tpu.vector_load_idx %arg8[%get3A_145] : memref<1000xf32, #tpu.memory_space<vmem>>[vector<16xi32>], vector<16xf32>,
    %get3A_147 = arith.constant 160 : index
    %get3A_148 = tpu.vector_load %arg10[%get3A_147] {strides = array<i32>} : memref<1024xf32, #tpu.memory_space<vmem>>, vector<16xf32>,
    %mul3A_149 = arith.mulf %get3A_13, %get3A_148 : vector<16xf32>
    %add3A_150 = arith.addf %gather3A_146, %mul3A_149 : vector<16xf32>
    %get3A_151 = arith.constant 160 : index
    %get3A_152 = tpu.vector_load %arg11[%get3A_151] {strides = array<i32>} : memref<1024xf32, #tpu.memory_space<vmem>>, vector<16xf32>,
    %mul3A_153 = arith.mulf %get3A_15, %get3A_152 : vector<16xf32>
    %add3A_154 = arith.addf %add3A_150, %mul3A_153 : vector<16xf32>
    %swap3A_155 = arith.constant 160 : index
    %swap3A_156 = tpu.vector_load %arg12[%swap3A_155] {strides = array<i32>} : memref<1024xf32, #tpu.memory_space<vmem>>, vector<16xf32>,
    tpu.vector_store %arg12[%swap3A_155], %add3A_154 {strides = array<i32>} : memref<1024xf32, #tpu.memory_space<vmem>>, vector<16xf32>,
    %get3A_157 = arith.constant 176 : index
    %get3A_158 = tpu.vector_load %arg9[%get3A_157] {strides = array<i32>} : memref<1024xi32, #tpu.memory_space<vmem>>, vector<16xi32>,
    %gather3A_159 = tpu.vector_load_idx %arg8[%get3A_158] : memref<1000xf32, #tpu.memory_space<vmem>>[vector<16xi32>], vector<16xf32>,
    %get3A_160 = arith.constant 176 : index
    %get3A_161 = tpu.vector_load %arg10[%get3A_160] {strides = array<i32>} : memref<1024xf32, #tpu.memory_space<vmem>>, vector<16xf32>,
    %mul3A_162 = arith.mulf %get3A_13, %get3A_161 : vector<16xf32>
    %add3A_163 = arith.addf %gather3A_159, %mul3A_162 : vector<16xf32>
    %get3A_164 = arith.constant 176 : index
    %get3A_165 = tpu.vector_load %arg11[%get3A_164] {strides = array<i32>} : memref<1024xf32, #tpu.memory_space<vmem>>, vector<16xf32>,
    %mul3A_166 = arith.mulf %get3A_15, %get3A_165 : vector<16xf32>
    %add3A_167 = arith.addf %add3A_163, %mul3A_166 : vector<16xf32>
    %swap3A_168 = arith.constant 176 : index
    %swap3A_169 = tpu.vector_load %arg12[%swap3A_168] {strides = array<i32>} : memref<1024xf32, #tpu.memory_space<vmem>>, vector<16xf32>,
    tpu.vector_store %arg12[%swap3A_168], %add3A_167 {strides = array<i32>} : memref<1024xf32, #tpu.memory_space<vmem>>, vector<16xf32>,
    %get3A_170 = arith.constant 192 : index
    %get3A_171 = tpu.vector_load %arg9[%get3A_170] {strides = array<i32>} : memref<1024xi32, #tpu.memory_space<vmem>>, vector<16xi32>,
    %gather3A_172 = tpu.vector_load_idx %arg8[%get3A_171] : memref<1000xf32, #tpu.memory_space<vmem>>[vector<16xi32>], vector<16xf32>,
    %get3A_173 = arith.constant 192 : index
    %get3A_174 = tpu.vector_load %arg10[%get3A_173] {strides = array<i32>} : memref<1024xf32, #tpu.memory_space<vmem>>, vector<16xf32>,
    %mul3A_175 = arith.mulf %get3A_13, %get3A_174 : vector<16xf32>
    %add3A_176 = arith.addf %gather3A_172, %mul3A_175 : vector<16xf32>
    %get3A_177 = arith.constant 192 : index
    %get3A_178 = tpu.vector_load %arg11[%get3A_177] {strides = array<i32>} : memref<1024xf32, #tpu.memory_space<vmem>>, vector<16xf32>,
    %mul3A_179 = arith.mulf %get3A_15, %get3A_178 : vector<16xf32>
    %add3A_180 = arith.addf %add3A_176, %mul3A_179 : vector<16xf32>
    %swap3A_181 = arith.constant 192 : index
    %swap3A_182 = tpu.vector_load %arg12[%swap3A_181] {strides = array<i32>} : memref<1024xf32, #tpu.memory_space<vmem>>, vector<16xf32>,
    tpu.vector_store %arg12[%swap3A_181], %add3A_180 {strides = array<i32>} : memref<1024xf32, #tpu.memory_space<vmem>>, vector<16xf32>,
    %get3A_183 = arith.constant 208 : index
    %get3A_184 = tpu.vector_load %arg9[%get3A_183] {strides = array<i32>} : memref<1024xi32, #tpu.memory_space<vmem>>, vector<16xi32>,
    %gather3A_185 = tpu.vector_load_idx %arg8[%get3A_184] : memref<1000xf32, #tpu.memory_space<vmem>>[vector<16xi32>], vector<16xf32>,
    %get3A_186 = arith.constant 208 : index
    %get3A_187 = tpu.vector_load %arg10[%get3A_186] {strides = array<i32>} : memref<1024xf32, #tpu.memory_space<vmem>>, vector<16xf32>,
    %mul3A_188 = arith.mulf %get3A_13, %get3A_187 : vector<16xf32>
    %add3A_189 = arith.addf %gather3A_185, %mul3A_188 : vector<16xf32>
    %get3A_190 = arith.constant 208 : index
    %get3A_191 = tpu.vector_load %arg11[%get3A_190] {strides = array<i32>} : memref<1024xf32, #tpu.memory_space<vmem>>, vector<16xf32>,
    %mul3A_192 = arith.mulf %get3A_15, %get3A_191 : vector<16xf32>
    %add3A_193 = arith.addf %add3A_189, %mul3A_192 : vector<16xf32>
    %swap3A_194 = arith.constant 208 : index
    %swap3A_195 = tpu.vector_load %arg12[%swap3A_194] {strides = array<i32>} : memref<1024xf32, #tpu.memory_space<vmem>>, vector<16xf32>,
    tpu.vector_store %arg12[%swap3A_194], %add3A_193 {strides = array<i32>} : memref<1024xf32, #tpu.memory_space<vmem>>, vector<16xf32>,
    %get3A_196 = arith.constant 224 : index
    %get3A_197 = tpu.vector_load %arg9[%get3A_196] {strides = array<i32>} : memref<1024xi32, #tpu.memory_space<vmem>>, vector<16xi32>,
    %gather3A_198 = tpu.vector_load_idx %arg8[%get3A_197] : memref<1000xf32, #tpu.memory_space<vmem>>[vector<16xi32>], vector<16xf32>,
    %get3A_199 = arith.constant 224 : index
    %get3A_200 = tpu.vector_load %arg10[%get3A_199] {strides = array<i32>} : memref<1024xf32, #tpu.memory_space<vmem>>, vector<16xf32>,
    %mul3A_201 = arith.mulf %get3A_13, %get3A_200 : vector<16xf32>
    %add3A_202 = arith.addf %gather3A_198, %mul3A_201 : vector<16xf32>
    %get3A_203 = arith.constant 224 : index
    %get3A_204 = tpu.vector_load %arg11[%get3A_203] {strides = array<i32>} : memref<1024xf32, #tpu.memory_space<vmem>>, vector<16xf32>,
    %mul3A_205 = arith.mulf %get3A_15, %get3A_204 : vector<16xf32>
    %add3A_206 = arith.addf %add3A_202, %mul3A_205 : vector<16xf32>
    %swap3A_207 = arith.constant 224 : index
    %swap3A_208 = tpu.vector_load %arg12[%swap3A_207] {strides = array<i32>} : memref<1024xf32, #tpu.memory_space<vmem>>, vector<16xf32>,
    tpu.vector_store %arg12[%swap3A_207], %add3A_206 {strides = array<i32>} : memref<1024xf32, #tpu.memory_space<vmem>>, vector<16xf32>,
    %get3A_209 = arith.constant 240 : index
    %get3A_210 = tpu.vector_load %arg9[%get3A_209] {strides = array<i32>} : memref<1024xi32, #tpu.memory_space<vmem>>, vector<16xi32>,
    %gather3A_211 = tpu.vector_load_idx %arg8[%get3A_210] : memref<1000xf32, #tpu.memory_space<vmem>>[vector<16xi32>], vector<16xf32>,
    %get3A_212 = arith.constant 240 : index
    %get3A_213 = tpu.vector_load %arg10[%get3A_212] {strides = array<i32>} : memref<1024xf32, #tpu.memory_space<vmem>>, vector<16xf32>,
    %mul3A_214 = arith.mulf %get3A_13, %get3A_213 : vector<16xf32>
    %add3A_215 = arith.addf %gather3A_211, %mul3A_214 : vector<16xf32>
    %get3A_216 = arith.constant 240 : index
    %get3A_217 = tpu.vector_load %arg11[%get3A_216] {strides = array<i32>} : memref<1024xf32, #tpu.memory_space<vmem>>, vector<16xf32>,
    %mul3A_218 = arith.mulf %get3A_15, %get3A_217 : vector<16xf32>
    %add3A_219 = arith.addf %add3A_215, %mul3A_218 : vector<16xf32>
    %swap3A_220 = arith.constant 240 : index
    %swap3A_221 = tpu.vector_load %arg12[%swap3A_220] {strides = array<i32>} : memref<1024xf32, #tpu.memory_space<vmem>>, vector<16xf32>,
    tpu.vector_store %arg12[%swap3A_220], %add3A_219 {strides = array<i32>} : memref<1024xf32, #tpu.memory_space<vmem>>, vector<16xf32>,
    %add3A_222 = arith.constant 0 : i32
    %add3A_223 = arith.addi %mul3A_2, %add3A_222 : i32
    %dma_start3A_224 = arith.constant 0 : i32
    %dma_start3A_225 = tpu.memref_slice %arg12[%dma_start3A_224] : memref<1024xf32, #tpu.memory_space<vmem>> -> memref<256xf32, #tpu.memory_space<vmem>>
    %dma_start3A_226 = tpu.memref_slice %arg7[%add3A_223] : memref<16384xf32, #tpu.memory_space<hbm>> -> memref<256xf32, #tpu.memory_space<hbm>>
    %dma_start3A_227 = tpu.memref_slice %arg7[%add3A_223] : memref<16384xf32, #tpu.memory_space<hbm>> -> memref<256xf32, #tpu.memory_space<hbm>>
    %dma_start3A_228 = arith.constant 0 : i32
    %dma_start3A_229 = tpu.memref_slice %arg12[%dma_start3A_228] : memref<1024xf32, #tpu.memory_space<vmem>> -> memref<256xf32, #tpu.memory_space<vmem>>
    tpu.enqueue_dma source(%dma_start3A_229 : memref<256xf32, #tpu.memory_space<vmem>>) target(%dma_start3A_227 : memref<256xf32, #tpu.memory_space<hbm>>) target_semaphore(%arg15 : memref<!tpu.dma_semaphore, #tpu.memory_space<semaphore_mem>>)
    %get3A_230 = arith.constant 256 : index
    %get3A_231 = tpu.vector_load %arg9[%get3A_230] {strides = array<i32>} : memref<1024xi32, #tpu.memory_space<vmem>>, vector<16xi32>,
    %gather3A_232 = tpu.vector_load_idx %arg8[%get3A_231] : memref<1000xf32, #tpu.memory_space<vmem>>[vector<16xi32>], vector<16xf32>,
    %get3A_233 = arith.constant 256 : index
    %get3A_234 = tpu.vector_load %arg10[%get3A_233] {strides = array<i32>} : memref<1024xf32, #tpu.memory_space<vmem>>, vector<16xf32>,
    %mul3A_235 = arith.mulf %get3A_13, %get3A_234 : vector<16xf32>
    %add3A_236 = arith.addf %gather3A_232, %mul3A_235 : vector<16xf32>
    %get3A_237 = arith.constant 256 : index
    %get3A_238 = tpu.vector_load %arg11[%get3A_237] {strides = array<i32>} : memref<1024xf32, #tpu.memory_space<vmem>>, vector<16xf32>,
    %mul3A_239 = arith.mulf %get3A_15, %get3A_238 : vector<16xf32>
    %add3A_240 = arith.addf %add3A_236, %mul3A_239 : vector<16xf32>
    %swap3A_241 = arith.constant 256 : index
    %swap3A_242 = tpu.vector_load %arg12[%swap3A_241] {strides = array<i32>} : memref<1024xf32, #tpu.memory_space<vmem>>, vector<16xf32>,
    tpu.vector_store %arg12[%swap3A_241], %add3A_240 {strides = array<i32>} : memref<1024xf32, #tpu.memory_space<vmem>>, vector<16xf32>,
    %get3A_243 = arith.constant 272 : index
    %get3A_244 = tpu.vector_load %arg9[%get3A_243] {strides = array<i32>} : memref<1024xi32, #tpu.memory_space<vmem>>, vector<16xi32>,
    %gather3A_245 = tpu.vector_load_idx %arg8[%get3A_244] : memref<1000xf32, #tpu.memory_space<vmem>>[vector<16xi32>], vector<16xf32>,
    %get3A_246 = arith.constant 272 : index
    %get3A_247 = tpu.vector_load %arg10[%get3A_246] {strides = array<i32>} : memref<1024xf32, #tpu.memory_space<vmem>>, vector<16xf32>,
    %mul3A_248 = arith.mulf %get3A_13, %get3A_247 : vector<16xf32>
    %add3A_249 = arith.addf %gather3A_245, %mul3A_248 : vector<16xf32>
    %get3A_250 = arith.constant 272 : index
    %get3A_251 = tpu.vector_load %arg11[%get3A_250] {strides = array<i32>} : memref<1024xf32, #tpu.memory_space<vmem>>, vector<16xf32>,
    %mul3A_252 = arith.mulf %get3A_15, %get3A_251 : vector<16xf32>
    %add3A_253 = arith.addf %add3A_249, %mul3A_252 : vector<16xf32>
    %swap3A_254 = arith.constant 272 : index
    %swap3A_255 = tpu.vector_load %arg12[%swap3A_254] {strides = array<i32>} : memref<1024xf32, #tpu.memory_space<vmem>>, vector<16xf32>,
    tpu.vector_store %arg12[%swap3A_254], %add3A_253 {strides = array<i32>} : memref<1024xf32, #tpu.memory_space<vmem>>, vector<16xf32>,
    %get3A_256 = arith.constant 288 : index
    %get3A_257 = tpu.vector_load %arg9[%get3A_256] {strides = array<i32>} : memref<1024xi32, #tpu.memory_space<vmem>>, vector<16xi32>,
    %gather3A_258 = tpu.vector_load_idx %arg8[%get3A_257] : memref<1000xf32, #tpu.memory_space<vmem>>[vector<16xi32>], vector<16xf32>,
    %get3A_259 = arith.constant 288 : index
    %get3A_260 = tpu.vector_load %arg10[%get3A_259] {strides = array<i32>} : memref<1024xf32, #tpu.memory_space<vmem>>, vector<16xf32>,
    %mul3A_261 = arith.mulf %get3A_13, %get3A_260 : vector<16xf32>
    %add3A_262 = arith.addf %gather3A_258, %mul3A_261 : vector<16xf32>
    %get3A_263 = arith.constant 288 : index
    %get3A_264 = tpu.vector_load %arg11[%get3A_263] {strides = array<i32>} : memref<1024xf32, #tpu.memory_space<vmem>>, vector<16xf32>,
    %mul3A_265 = arith.mulf %get3A_15, %get3A_264 : vector<16xf32>
    %add3A_266 = arith.addf %add3A_262, %mul3A_265 : vector<16xf32>
    %swap3A_267 = arith.constant 288 : index
    %swap3A_268 = tpu.vector_load %arg12[%swap3A_267] {strides = array<i32>} : memref<1024xf32, #tpu.memory_space<vmem>>, vector<16xf32>,
    tpu.vector_store %arg12[%swap3A_267], %add3A_266 {strides = array<i32>} : memref<1024xf32, #tpu.memory_space<vmem>>, vector<16xf32>,
    %get3A_269 = arith.constant 304 : index
    %get3A_270 = tpu.vector_load %arg9[%get3A_269] {strides = array<i32>} : memref<1024xi32, #tpu.memory_space<vmem>>, vector<16xi32>,
    %gather3A_271 = tpu.vector_load_idx %arg8[%get3A_270] : memref<1000xf32, #tpu.memory_space<vmem>>[vector<16xi32>], vector<16xf32>,
    %get3A_272 = arith.constant 304 : index
    %get3A_273 = tpu.vector_load %arg10[%get3A_272] {strides = array<i32>} : memref<1024xf32, #tpu.memory_space<vmem>>, vector<16xf32>,
    %mul3A_274 = arith.mulf %get3A_13, %get3A_273 : vector<16xf32>
    %add3A_275 = arith.addf %gather3A_271, %mul3A_274 : vector<16xf32>
    %get3A_276 = arith.constant 304 : index
    %get3A_277 = tpu.vector_load %arg11[%get3A_276] {strides = array<i32>} : memref<1024xf32, #tpu.memory_space<vmem>>, vector<16xf32>,
    %mul3A_278 = arith.mulf %get3A_15, %get3A_277 : vector<16xf32>
    %add3A_279 = arith.addf %add3A_275, %mul3A_278 : vector<16xf32>
    %swap3A_280 = arith.constant 304 : index
    %swap3A_281 = tpu.vector_load %arg12[%swap3A_280] {strides = array<i32>} : memref<1024xf32, #tpu.memory_space<vmem>>, vector<16xf32>,
    tpu.vector_store %arg12[%swap3A_280], %add3A_279 {strides = array<i32>} : memref<1024xf32, #tpu.memory_space<vmem>>, vector<16xf32>,
    %get3A_282 = arith.constant 320 : index
    %get3A_283 = tpu.vector_load %arg9[%get3A_282] {strides = array<i32>} : memref<1024xi32, #tpu.memory_space<vmem>>, vector<16xi32>,
    %gather3A_284 = tpu.vector_load_idx %arg8[%get3A_283] : memref<1000xf32, #tpu.memory_space<vmem>>[vector<16xi32>], vector<16xf32>,
    %get3A_285 = arith.constant 320 : index
    %get3A_286 = tpu.vector_load %arg10[%get3A_285] {strides = array<i32>} : memref<1024xf32, #tpu.memory_space<vmem>>, vector<16xf32>,
    %mul3A_287 = arith.mulf %get3A_13, %get3A_286 : vector<16xf32>
    %add3A_288 = arith.addf %gather3A_284, %mul3A_287 : vector<16xf32>
    %get3A_289 = arith.constant 320 : index
    %get3A_290 = tpu.vector_load %arg11[%get3A_289] {strides = array<i32>} : memref<1024xf32, #tpu.memory_space<vmem>>, vector<16xf32>,
    %mul3A_291 = arith.mulf %get3A_15, %get3A_290 : vector<16xf32>
    %add3A_292 = arith.addf %add3A_288, %mul3A_291 : vector<16xf32>
    %swap3A_293 = arith.constant 320 : index
    %swap3A_294 = tpu.vector_load %arg12[%swap3A_293] {strides = array<i32>} : memref<1024xf32, #tpu.memory_space<vmem>>, vector<16xf32>,
    tpu.vector_store %arg12[%swap3A_293], %add3A_292 {strides = array<i32>} : memref<1024xf32, #tpu.memory_space<vmem>>, vector<16xf32>,
    %get3A_295 = arith.constant 336 : index
    %get3A_296 = tpu.vector_load %arg9[%get3A_295] {strides = array<i32>} : memref<1024xi32, #tpu.memory_space<vmem>>, vector<16xi32>,
    %gather3A_297 = tpu.vector_load_idx %arg8[%get3A_296] : memref<1000xf32, #tpu.memory_space<vmem>>[vector<16xi32>], vector<16xf32>,
    %get3A_298 = arith.constant 336 : index
    %get3A_299 = tpu.vector_load %arg10[%get3A_298] {strides = array<i32>} : memref<1024xf32, #tpu.memory_space<vmem>>, vector<16xf32>,
    %mul3A_300 = arith.mulf %get3A_13, %get3A_299 : vector<16xf32>
    %add3A_301 = arith.addf %gather3A_297, %mul3A_300 : vector<16xf32>
    %get3A_302 = arith.constant 336 : index
    %get3A_303 = tpu.vector_load %arg11[%get3A_302] {strides = array<i32>} : memref<1024xf32, #tpu.memory_space<vmem>>, vector<16xf32>,
    %mul3A_304 = arith.mulf %get3A_15, %get3A_303 : vector<16xf32>
    %add3A_305 = arith.addf %add3A_301, %mul3A_304 : vector<16xf32>
    %swap3A_306 = arith.constant 336 : index
    %swap3A_307 = tpu.vector_load %arg12[%swap3A_306] {strides = array<i32>} : memref<1024xf32, #tpu.memory_space<vmem>>, vector<16xf32>,
    tpu.vector_store %arg12[%swap3A_306], %add3A_305 {strides = array<i32>} : memref<1024xf32, #tpu.memory_space<vmem>>, vector<16xf32>,
    %get3A_308 = arith.constant 352 : index
    %get3A_309 = tpu.vector_load %arg9[%get3A_308] {strides = array<i32>} : memref<1024xi32, #tpu.memory_space<vmem>>, vector<16xi32>,
    %gather3A_310 = tpu.vector_load_idx %arg8[%get3A_309] : memref<1000xf32, #tpu.memory_space<vmem>>[vector<16xi32>], vector<16xf32>,
    %get3A_311 = arith.constant 352 : index
    %get3A_312 = tpu.vector_load %arg10[%get3A_311] {strides = array<i32>} : memref<1024xf32, #tpu.memory_space<vmem>>, vector<16xf32>,
    %mul3A_313 = arith.mulf %get3A_13, %get3A_312 : vector<16xf32>
    %add3A_314 = arith.addf %gather3A_310, %mul3A_313 : vector<16xf32>
    %get3A_315 = arith.constant 352 : index
    %get3A_316 = tpu.vector_load %arg11[%get3A_315] {strides = array<i32>} : memref<1024xf32, #tpu.memory_space<vmem>>, vector<16xf32>,
    %mul3A_317 = arith.mulf %get3A_15, %get3A_316 : vector<16xf32>
    %add3A_318 = arith.addf %add3A_314, %mul3A_317 : vector<16xf32>
    %swap3A_319 = arith.constant 352 : index
    %swap3A_320 = tpu.vector_load %arg12[%swap3A_319] {strides = array<i32>} : memref<1024xf32, #tpu.memory_space<vmem>>, vector<16xf32>,
    tpu.vector_store %arg12[%swap3A_319], %add3A_318 {strides = array<i32>} : memref<1024xf32, #tpu.memory_space<vmem>>, vector<16xf32>,
    %get3A_321 = arith.constant 368 : index
    %get3A_322 = tpu.vector_load %arg9[%get3A_321] {strides = array<i32>} : memref<1024xi32, #tpu.memory_space<vmem>>, vector<16xi32>,
    %gather3A_323 = tpu.vector_load_idx %arg8[%get3A_322] : memref<1000xf32, #tpu.memory_space<vmem>>[vector<16xi32>], vector<16xf32>,
    %get3A_324 = arith.constant 368 : index
    %get3A_325 = tpu.vector_load %arg10[%get3A_324] {strides = array<i32>} : memref<1024xf32, #tpu.memory_space<vmem>>, vector<16xf32>,
    %mul3A_326 = arith.mulf %get3A_13, %get3A_325 : vector<16xf32>
    %add3A_327 = arith.addf %gather3A_323, %mul3A_326 : vector<16xf32>
    %get3A_328 = arith.constant 368 : index
    %get3A_329 = tpu.vector_load %arg11[%get3A_328] {strides = array<i32>} : memref<1024xf32, #tpu.memory_space<vmem>>, vector<16xf32>,
    %mul3A_330 = arith.mulf %get3A_15, %get3A_329 : vector<16xf32>
    %add3A_331 = arith.addf %add3A_327, %mul3A_330 : vector<16xf32>
    %swap3A_332 = arith.constant 368 : index
    %swap3A_333 = tpu.vector_load %arg12[%swap3A_332] {strides = array<i32>} : memref<1024xf32, #tpu.memory_space<vmem>>, vector<16xf32>,
    tpu.vector_store %arg12[%swap3A_332], %add3A_331 {strides = array<i32>} : memref<1024xf32, #tpu.memory_space<vmem>>, vector<16xf32>,
    %get3A_334 = arith.constant 384 : index
    %get3A_335 = tpu.vector_load %arg9[%get3A_334] {strides = array<i32>} : memref<1024xi32, #tpu.memory_space<vmem>>, vector<16xi32>,
    %gather3A_336 = tpu.vector_load_idx %arg8[%get3A_335] : memref<1000xf32, #tpu.memory_space<vmem>>[vector<16xi32>], vector<16xf32>,
    %get3A_337 = arith.constant 384 : index
    %get3A_338 = tpu.vector_load %arg10[%get3A_337] {strides = array<i32>} : memref<1024xf32, #tpu.memory_space<vmem>>, vector<16xf32>,
    %mul3A_339 = arith.mulf %get3A_13, %get3A_338 : vector<16xf32>
    %add3A_340 = arith.addf %gather3A_336, %mul3A_339 : vector<16xf32>
    %get3A_341 = arith.constant 384 : index
    %get3A_342 = tpu.vector_load %arg11[%get3A_341] {strides = array<i32>} : memref<1024xf32, #tpu.memory_space<vmem>>, vector<16xf32>,
    %mul3A_343 = arith.mulf %get3A_15, %get3A_342 : vector<16xf32>
    %add3A_344 = arith.addf %add3A_340, %mul3A_343 : vector<16xf32>
    %swap3A_345 = arith.constant 384 : index
    %swap3A_346 = tpu.vector_load %arg12[%swap3A_345] {strides = array<i32>} : memref<1024xf32, #tpu.memory_space<vmem>>, vector<16xf32>,
    tpu.vector_store %arg12[%swap3A_345], %add3A_344 {strides = array<i32>} : memref<1024xf32, #tpu.memory_space<vmem>>, vector<16xf32>,
    %get3A_347 = arith.constant 400 : index
    %get3A_348 = tpu.vector_load %arg9[%get3A_347] {strides = array<i32>} : memref<1024xi32, #tpu.memory_space<vmem>>, vector<16xi32>,
    %gather3A_349 = tpu.vector_load_idx %arg8[%get3A_348] : memref<1000xf32, #tpu.memory_space<vmem>>[vector<16xi32>], vector<16xf32>,
    %get3A_350 = arith.constant 400 : index
    %get3A_351 = tpu.vector_load %arg10[%get3A_350] {strides = array<i32>} : memref<1024xf32, #tpu.memory_space<vmem>>, vector<16xf32>,
    %mul3A_352 = arith.mulf %get3A_13, %get3A_351 : vector<16xf32>
    %add3A_353 = arith.addf %gather3A_349, %mul3A_352 : vector<16xf32>
    %get3A_354 = arith.constant 400 : index
    %get3A_355 = tpu.vector_load %arg11[%get3A_354] {strides = array<i32>} : memref<1024xf32, #tpu.memory_space<vmem>>, vector<16xf32>,
    %mul3A_356 = arith.mulf %get3A_15, %get3A_355 : vector<16xf32>
    %add3A_357 = arith.addf %add3A_353, %mul3A_356 : vector<16xf32>
    %swap3A_358 = arith.constant 400 : index
    %swap3A_359 = tpu.vector_load %arg12[%swap3A_358] {strides = array<i32>} : memref<1024xf32, #tpu.memory_space<vmem>>, vector<16xf32>,
    tpu.vector_store %arg12[%swap3A_358], %add3A_357 {strides = array<i32>} : memref<1024xf32, #tpu.memory_space<vmem>>, vector<16xf32>,
    %get3A_360 = arith.constant 416 : index
    %get3A_361 = tpu.vector_load %arg9[%get3A_360] {strides = array<i32>} : memref<1024xi32, #tpu.memory_space<vmem>>, vector<16xi32>,
    %gather3A_362 = tpu.vector_load_idx %arg8[%get3A_361] : memref<1000xf32, #tpu.memory_space<vmem>>[vector<16xi32>], vector<16xf32>,
    %get3A_363 = arith.constant 416 : index
    %get3A_364 = tpu.vector_load %arg10[%get3A_363] {strides = array<i32>} : memref<1024xf32, #tpu.memory_space<vmem>>, vector<16xf32>,
    %mul3A_365 = arith.mulf %get3A_13, %get3A_364 : vector<16xf32>
    %add3A_366 = arith.addf %gather3A_362, %mul3A_365 : vector<16xf32>
    %get3A_367 = arith.constant 416 : index
    %get3A_368 = tpu.vector_load %arg11[%get3A_367] {strides = array<i32>} : memref<1024xf32, #tpu.memory_space<vmem>>, vector<16xf32>,
    %mul3A_369 = arith.mulf %get3A_15, %get3A_368 : vector<16xf32>
    %add3A_370 = arith.addf %add3A_366, %mul3A_369 : vector<16xf32>
    %swap3A_371 = arith.constant 416 : index
    %swap3A_372 = tpu.vector_load %arg12[%swap3A_371] {strides = array<i32>} : memref<1024xf32, #tpu.memory_space<vmem>>, vector<16xf32>,
    tpu.vector_store %arg12[%swap3A_371], %add3A_370 {strides = array<i32>} : memref<1024xf32, #tpu.memory_space<vmem>>, vector<16xf32>,
    %get3A_373 = arith.constant 432 : index
    %get3A_374 = tpu.vector_load %arg9[%get3A_373] {strides = array<i32>} : memref<1024xi32, #tpu.memory_space<vmem>>, vector<16xi32>,
    %gather3A_375 = tpu.vector_load_idx %arg8[%get3A_374] : memref<1000xf32, #tpu.memory_space<vmem>>[vector<16xi32>], vector<16xf32>,
    %get3A_376 = arith.constant 432 : index
    %get3A_377 = tpu.vector_load %arg10[%get3A_376] {strides = array<i32>} : memref<1024xf32, #tpu.memory_space<vmem>>, vector<16xf32>,
    %mul3A_378 = arith.mulf %get3A_13, %get3A_377 : vector<16xf32>
    %add3A_379 = arith.addf %gather3A_375, %mul3A_378 : vector<16xf32>
    %get3A_380 = arith.constant 432 : index
    %get3A_381 = tpu.vector_load %arg11[%get3A_380] {strides = array<i32>} : memref<1024xf32, #tpu.memory_space<vmem>>, vector<16xf32>,
    %mul3A_382 = arith.mulf %get3A_15, %get3A_381 : vector<16xf32>
    %add3A_383 = arith.addf %add3A_379, %mul3A_382 : vector<16xf32>
    %swap3A_384 = arith.constant 432 : index
    %swap3A_385 = tpu.vector_load %arg12[%swap3A_384] {strides = array<i32>} : memref<1024xf32, #tpu.memory_space<vmem>>, vector<16xf32>,
    tpu.vector_store %arg12[%swap3A_384], %add3A_383 {strides = array<i32>} : memref<1024xf32, #tpu.memory_space<vmem>>, vector<16xf32>,
    %get3A_386 = arith.constant 448 : index
    %get3A_387 = tpu.vector_load %arg9[%get3A_386] {strides = array<i32>} : memref<1024xi32, #tpu.memory_space<vmem>>, vector<16xi32>,
    %gather3A_388 = tpu.vector_load_idx %arg8[%get3A_387] : memref<1000xf32, #tpu.memory_space<vmem>>[vector<16xi32>], vector<16xf32>,
    %get3A_389 = arith.constant 448 : index
    %get3A_390 = tpu.vector_load %arg10[%get3A_389] {strides = array<i32>} : memref<1024xf32, #tpu.memory_space<vmem>>, vector<16xf32>,
    %mul3A_391 = arith.mulf %get3A_13, %get3A_390 : vector<16xf32>
    %add3A_392 = arith.addf %gather3A_388, %mul3A_391 : vector<16xf32>
    %get3A_393 = arith.constant 448 : index
    %get3A_394 = tpu.vector_load %arg11[%get3A_393] {strides = array<i32>} : memref<1024xf32, #tpu.memory_space<vmem>>, vector<16xf32>,
    %mul3A_395 = arith.mulf %get3A_15, %get3A_394 : vector<16xf32>
    %add3A_396 = arith.addf %add3A_392, %mul3A_395 : vector<16xf32>
    %swap3A_397 = arith.constant 448 : index
    %swap3A_398 = tpu.vector_load %arg12[%swap3A_397] {strides = array<i32>} : memref<1024xf32, #tpu.memory_space<vmem>>, vector<16xf32>,
    tpu.vector_store %arg12[%swap3A_397], %add3A_396 {strides = array<i32>} : memref<1024xf32, #tpu.memory_space<vmem>>, vector<16xf32>,
    %get3A_399 = arith.constant 464 : index
    %get3A_400 = tpu.vector_load %arg9[%get3A_399] {strides = array<i32>} : memref<1024xi32, #tpu.memory_space<vmem>>, vector<16xi32>,
    %gather3A_401 = tpu.vector_load_idx %arg8[%get3A_400] : memref<1000xf32, #tpu.memory_space<vmem>>[vector<16xi32>], vector<16xf32>,
    %get3A_402 = arith.constant 464 : index
    %get3A_403 = tpu.vector_load %arg10[%get3A_402] {strides = array<i32>} : memref<1024xf32, #tpu.memory_space<vmem>>, vector<16xf32>,
    %mul3A_404 = arith.mulf %get3A_13, %get3A_403 : vector<16xf32>
    %add3A_405 = arith.addf %gather3A_401, %mul3A_404 : vector<16xf32>
    %get3A_406 = arith.constant 464 : index
    %get3A_407 = tpu.vector_load %arg11[%get3A_406] {strides = array<i32>} : memref<1024xf32, #tpu.memory_space<vmem>>, vector<16xf32>,
    %mul3A_408 = arith.mulf %get3A_15, %get3A_407 : vector<16xf32>
    %add3A_409 = arith.addf %add3A_405, %mul3A_408 : vector<16xf32>
    %swap3A_410 = arith.constant 464 : index
    %swap3A_411 = tpu.vector_load %arg12[%swap3A_410] {strides = array<i32>} : memref<1024xf32, #tpu.memory_space<vmem>>, vector<16xf32>,
    tpu.vector_store %arg12[%swap3A_410], %add3A_409 {strides = array<i32>} : memref<1024xf32, #tpu.memory_space<vmem>>, vector<16xf32>,
    %get3A_412 = arith.constant 480 : index
    %get3A_413 = tpu.vector_load %arg9[%get3A_412] {strides = array<i32>} : memref<1024xi32, #tpu.memory_space<vmem>>, vector<16xi32>,
    %gather3A_414 = tpu.vector_load_idx %arg8[%get3A_413] : memref<1000xf32, #tpu.memory_space<vmem>>[vector<16xi32>], vector<16xf32>,
    %get3A_415 = arith.constant 480 : index
    %get3A_416 = tpu.vector_load %arg10[%get3A_415] {strides = array<i32>} : memref<1024xf32, #tpu.memory_space<vmem>>, vector<16xf32>,
    %mul3A_417 = arith.mulf %get3A_13, %get3A_416 : vector<16xf32>
    %add3A_418 = arith.addf %gather3A_414, %mul3A_417 : vector<16xf32>
    %get3A_419 = arith.constant 480 : index
    %get3A_420 = tpu.vector_load %arg11[%get3A_419] {strides = array<i32>} : memref<1024xf32, #tpu.memory_space<vmem>>, vector<16xf32>,
    %mul3A_421 = arith.mulf %get3A_15, %get3A_420 : vector<16xf32>
    %add3A_422 = arith.addf %add3A_418, %mul3A_421 : vector<16xf32>
    %swap3A_423 = arith.constant 480 : index
    %swap3A_424 = tpu.vector_load %arg12[%swap3A_423] {strides = array<i32>} : memref<1024xf32, #tpu.memory_space<vmem>>, vector<16xf32>,
    tpu.vector_store %arg12[%swap3A_423], %add3A_422 {strides = array<i32>} : memref<1024xf32, #tpu.memory_space<vmem>>, vector<16xf32>,
    %get3A_425 = arith.constant 496 : index
    %get3A_426 = tpu.vector_load %arg9[%get3A_425] {strides = array<i32>} : memref<1024xi32, #tpu.memory_space<vmem>>, vector<16xi32>,
    %gather3A_427 = tpu.vector_load_idx %arg8[%get3A_426] : memref<1000xf32, #tpu.memory_space<vmem>>[vector<16xi32>], vector<16xf32>,
    %get3A_428 = arith.constant 496 : index
    %get3A_429 = tpu.vector_load %arg10[%get3A_428] {strides = array<i32>} : memref<1024xf32, #tpu.memory_space<vmem>>, vector<16xf32>,
    %mul3A_430 = arith.mulf %get3A_13, %get3A_429 : vector<16xf32>
    %add3A_431 = arith.addf %gather3A_427, %mul3A_430 : vector<16xf32>
    %get3A_432 = arith.constant 496 : index
    %get3A_433 = tpu.vector_load %arg11[%get3A_432] {strides = array<i32>} : memref<1024xf32, #tpu.memory_space<vmem>>, vector<16xf32>,
    %mul3A_434 = arith.mulf %get3A_15, %get3A_433 : vector<16xf32>
    %add3A_435 = arith.addf %add3A_431, %mul3A_434 : vector<16xf32>
    %swap3A_436 = arith.constant 496 : index
    %swap3A_437 = tpu.vector_load %arg12[%swap3A_436] {strides = array<i32>} : memref<1024xf32, #tpu.memory_space<vmem>>, vector<16xf32>,
    tpu.vector_store %arg12[%swap3A_436], %add3A_435 {strides = array<i32>} : memref<1024xf32, #tpu.memory_space<vmem>>, vector<16xf32>,
    %add3A_438 = arith.constant 256 : i32
    %add3A_439 = arith.addi %mul3A_2, %add3A_438 : i32
    %dma_start3A_440 = arith.constant 256 : i32
    %dma_start3A_441 = tpu.memref_slice %arg12[%dma_start3A_440] : memref<1024xf32, #tpu.memory_space<vmem>> -> memref<256xf32, #tpu.memory_space<vmem>>
    %dma_start3A_442 = tpu.memref_slice %arg7[%add3A_439] : memref<16384xf32, #tpu.memory_space<hbm>> -> memref<256xf32, #tpu.memory_space<hbm>>
    %dma_start3A_443 = tpu.memref_slice %arg7[%add3A_439] : memref<16384xf32, #tpu.memory_space<hbm>> -> memref<256xf32, #tpu.memory_space<hbm>>
    %dma_start3A_444 = arith.constant 256 : i32
    %dma_start3A_445 = tpu.memref_slice %arg12[%dma_start3A_444] : memref<1024xf32, #tpu.memory_space<vmem>> -> memref<256xf32, #tpu.memory_space<vmem>>
    tpu.enqueue_dma source(%dma_start3A_445 : memref<256xf32, #tpu.memory_space<vmem>>) target(%dma_start3A_443 : memref<256xf32, #tpu.memory_space<hbm>>) target_semaphore(%arg15 : memref<!tpu.dma_semaphore, #tpu.memory_space<semaphore_mem>>)
    %get3A_446 = arith.constant 512 : index
    %get3A_447 = tpu.vector_load %arg9[%get3A_446] {strides = array<i32>} : memref<1024xi32, #tpu.memory_space<vmem>>, vector<16xi32>,
    %gather3A_448 = tpu.vector_load_idx %arg8[%get3A_447] : memref<1000xf32, #tpu.memory_space<vmem>>[vector<16xi32>], vector<16xf32>,
    %get3A_449 = arith.constant 512 : index
    %get3A_450 = tpu.vector_load %arg10[%get3A_449] {strides = array<i32>} : memref<1024xf32, #tpu.memory_space<vmem>>, vector<16xf32>,
    %mul3A_451 = arith.mulf %get3A_13, %get3A_450 : vector<16xf32>
    %add3A_452 = arith.addf %gather3A_448, %mul3A_451 : vector<16xf32>
    %get3A_453 = arith.constant 512 : index
    %get3A_454 = tpu.vector_load %arg11[%get3A_453] {strides = array<i32>} : memref<1024xf32, #tpu.memory_space<vmem>>, vector<16xf32>,
    %mul3A_455 = arith.mulf %get3A_15, %get3A_454 : vector<16xf32>
    %add3A_456 = arith.addf %add3A_452, %mul3A_455 : vector<16xf32>
    %swap3A_457 = arith.constant 512 : index
    %swap3A_458 = tpu.vector_load %arg12[%swap3A_457] {strides = array<i32>} : memref<1024xf32, #tpu.memory_space<vmem>>, vector<16xf32>,
    tpu.vector_store %arg12[%swap3A_457], %add3A_456 {strides = array<i32>} : memref<1024xf32, #tpu.memory_space<vmem>>, vector<16xf32>,
    %get3A_459 = arith.constant 528 : index
    %get3A_460 = tpu.vector_load %arg9[%get3A_459] {strides = array<i32>} : memref<1024xi32, #tpu.memory_space<vmem>>, vector<16xi32>,
    %gather3A_461 = tpu.vector_load_idx %arg8[%get3A_460] : memref<1000xf32, #tpu.memory_space<vmem>>[vector<16xi32>], vector<16xf32>,
    %get3A_462 = arith.constant 528 : index
    %get3A_463 = tpu.vector_load %arg10[%get3A_462] {strides = array<i32>} : memref<1024xf32, #tpu.memory_space<vmem>>, vector<16xf32>,
    %mul3A_464 = arith.mulf %get3A_13, %get3A_463 : vector<16xf32>
    %add3A_465 = arith.addf %gather3A_461, %mul3A_464 : vector<16xf32>
    %get3A_466 = arith.constant 528 : index
    %get3A_467 = tpu.vector_load %arg11[%get3A_466] {strides = array<i32>} : memref<1024xf32, #tpu.memory_space<vmem>>, vector<16xf32>,
    %mul3A_468 = arith.mulf %get3A_15, %get3A_467 : vector<16xf32>
    %add3A_469 = arith.addf %add3A_465, %mul3A_468 : vector<16xf32>
    %swap3A_470 = arith.constant 528 : index
    %swap3A_471 = tpu.vector_load %arg12[%swap3A_470] {strides = array<i32>} : memref<1024xf32, #tpu.memory_space<vmem>>, vector<16xf32>,
    tpu.vector_store %arg12[%swap3A_470], %add3A_469 {strides = array<i32>} : memref<1024xf32, #tpu.memory_space<vmem>>, vector<16xf32>,
    %get3A_472 = arith.constant 544 : index
    %get3A_473 = tpu.vector_load %arg9[%get3A_472] {strides = array<i32>} : memref<1024xi32, #tpu.memory_space<vmem>>, vector<16xi32>,
    %gather3A_474 = tpu.vector_load_idx %arg8[%get3A_473] : memref<1000xf32, #tpu.memory_space<vmem>>[vector<16xi32>], vector<16xf32>,
    %get3A_475 = arith.constant 544 : index
    %get3A_476 = tpu.vector_load %arg10[%get3A_475] {strides = array<i32>} : memref<1024xf32, #tpu.memory_space<vmem>>, vector<16xf32>,
    %mul3A_477 = arith.mulf %get3A_13, %get3A_476 : vector<16xf32>
    %add3A_478 = arith.addf %gather3A_474, %mul3A_477 : vector<16xf32>
    %get3A_479 = arith.constant 544 : index
    %get3A_480 = tpu.vector_load %arg11[%get3A_479] {strides = array<i32>} : memref<1024xf32, #tpu.memory_space<vmem>>, vector<16xf32>,
    %mul3A_481 = arith.mulf %get3A_15, %get3A_480 : vector<16xf32>
    %add3A_482 = arith.addf %add3A_478, %mul3A_481 : vector<16xf32>
    %swap3A_483 = arith.constant 544 : index
    %swap3A_484 = tpu.vector_load %arg12[%swap3A_483] {strides = array<i32>} : memref<1024xf32, #tpu.memory_space<vmem>>, vector<16xf32>,
    tpu.vector_store %arg12[%swap3A_483], %add3A_482 {strides = array<i32>} : memref<1024xf32, #tpu.memory_space<vmem>>, vector<16xf32>,
    %get3A_485 = arith.constant 560 : index
    %get3A_486 = tpu.vector_load %arg9[%get3A_485] {strides = array<i32>} : memref<1024xi32, #tpu.memory_space<vmem>>, vector<16xi32>,
    %gather3A_487 = tpu.vector_load_idx %arg8[%get3A_486] : memref<1000xf32, #tpu.memory_space<vmem>>[vector<16xi32>], vector<16xf32>,
    %get3A_488 = arith.constant 560 : index
    %get3A_489 = tpu.vector_load %arg10[%get3A_488] {strides = array<i32>} : memref<1024xf32, #tpu.memory_space<vmem>>, vector<16xf32>,
    %mul3A_490 = arith.mulf %get3A_13, %get3A_489 : vector<16xf32>
    %add3A_491 = arith.addf %gather3A_487, %mul3A_490 : vector<16xf32>
    %get3A_492 = arith.constant 560 : index
    %get3A_493 = tpu.vector_load %arg11[%get3A_492] {strides = array<i32>} : memref<1024xf32, #tpu.memory_space<vmem>>, vector<16xf32>,
    %mul3A_494 = arith.mulf %get3A_15, %get3A_493 : vector<16xf32>
    %add3A_495 = arith.addf %add3A_491, %mul3A_494 : vector<16xf32>
    %swap3A_496 = arith.constant 560 : index
    %swap3A_497 = tpu.vector_load %arg12[%swap3A_496] {strides = array<i32>} : memref<1024xf32, #tpu.memory_space<vmem>>, vector<16xf32>,
    tpu.vector_store %arg12[%swap3A_496], %add3A_495 {strides = array<i32>} : memref<1024xf32, #tpu.memory_space<vmem>>, vector<16xf32>,
    %get3A_498 = arith.constant 576 : index
    %get3A_499 = tpu.vector_load %arg9[%get3A_498] {strides = array<i32>} : memref<1024xi32, #tpu.memory_space<vmem>>, vector<16xi32>,
    %gather3A_500 = tpu.vector_load_idx %arg8[%get3A_499] : memref<1000xf32, #tpu.memory_space<vmem>>[vector<16xi32>], vector<16xf32>,
    %get3A_501 = arith.constant 576 : index
    %get3A_502 = tpu.vector_load %arg10[%get3A_501] {strides = array<i32>} : memref<1024xf32, #tpu.memory_space<vmem>>, vector<16xf32>,
    %mul3A_503 = arith.mulf %get3A_13, %get3A_502 : vector<16xf32>
    %add3A_504 = arith.addf %gather3A_500, %mul3A_503 : vector<16xf32>
    %get3A_505 = arith.constant 576 : index
    %get3A_506 = tpu.vector_load %arg11[%get3A_505] {strides = array<i32>} : memref<1024xf32, #tpu.memory_space<vmem>>, vector<16xf32>,
    %mul3A_507 = arith.mulf %get3A_15, %get3A_506 : vector<16xf32>
    %add3A_508 = arith.addf %add3A_504, %mul3A_507 : vector<16xf32>
    %swap3A_509 = arith.constant 576 : index
    %swap3A_510 = tpu.vector_load %arg12[%swap3A_509] {strides = array<i32>} : memref<1024xf32, #tpu.memory_space<vmem>>, vector<16xf32>,
    tpu.vector_store %arg12[%swap3A_509], %add3A_508 {strides = array<i32>} : memref<1024xf32, #tpu.memory_space<vmem>>, vector<16xf32>,
    %get3A_511 = arith.constant 592 : index
    %get3A_512 = tpu.vector_load %arg9[%get3A_511] {strides = array<i32>} : memref<1024xi32, #tpu.memory_space<vmem>>, vector<16xi32>,
    %gather3A_513 = tpu.vector_load_idx %arg8[%get3A_512] : memref<1000xf32, #tpu.memory_space<vmem>>[vector<16xi32>], vector<16xf32>,
    %get3A_514 = arith.constant 592 : index
    %get3A_515 = tpu.vector_load %arg10[%get3A_514] {strides = array<i32>} : memref<1024xf32, #tpu.memory_space<vmem>>, vector<16xf32>,
    %mul3A_516 = arith.mulf %get3A_13, %get3A_515 : vector<16xf32>
    %add3A_517 = arith.addf %gather3A_513, %mul3A_516 : vector<16xf32>
    %get3A_518 = arith.constant 592 : index
    %get3A_519 = tpu.vector_load %arg11[%get3A_518] {strides = array<i32>} : memref<1024xf32, #tpu.memory_space<vmem>>, vector<16xf32>,
    %mul3A_520 = arith.mulf %get3A_15, %get3A_519 : vector<16xf32>
    %add3A_521 = arith.addf %add3A_517, %mul3A_520 : vector<16xf32>
    %swap3A_522 = arith.constant 592 : index
    %swap3A_523 = tpu.vector_load %arg12[%swap3A_522] {strides = array<i32>} : memref<1024xf32, #tpu.memory_space<vmem>>, vector<16xf32>,
    tpu.vector_store %arg12[%swap3A_522], %add3A_521 {strides = array<i32>} : memref<1024xf32, #tpu.memory_space<vmem>>, vector<16xf32>,
    %get3A_524 = arith.constant 608 : index
    %get3A_525 = tpu.vector_load %arg9[%get3A_524] {strides = array<i32>} : memref<1024xi32, #tpu.memory_space<vmem>>, vector<16xi32>,
    %gather3A_526 = tpu.vector_load_idx %arg8[%get3A_525] : memref<1000xf32, #tpu.memory_space<vmem>>[vector<16xi32>], vector<16xf32>,
    %get3A_527 = arith.constant 608 : index
    %get3A_528 = tpu.vector_load %arg10[%get3A_527] {strides = array<i32>} : memref<1024xf32, #tpu.memory_space<vmem>>, vector<16xf32>,
    %mul3A_529 = arith.mulf %get3A_13, %get3A_528 : vector<16xf32>
    %add3A_530 = arith.addf %gather3A_526, %mul3A_529 : vector<16xf32>
    %get3A_531 = arith.constant 608 : index
    %get3A_532 = tpu.vector_load %arg11[%get3A_531] {strides = array<i32>} : memref<1024xf32, #tpu.memory_space<vmem>>, vector<16xf32>,
    %mul3A_533 = arith.mulf %get3A_15, %get3A_532 : vector<16xf32>
    %add3A_534 = arith.addf %add3A_530, %mul3A_533 : vector<16xf32>
    %swap3A_535 = arith.constant 608 : index
    %swap3A_536 = tpu.vector_load %arg12[%swap3A_535] {strides = array<i32>} : memref<1024xf32, #tpu.memory_space<vmem>>, vector<16xf32>,
    tpu.vector_store %arg12[%swap3A_535], %add3A_534 {strides = array<i32>} : memref<1024xf32, #tpu.memory_space<vmem>>, vector<16xf32>,
    %get3A_537 = arith.constant 624 : index
    %get3A_538 = tpu.vector_load %arg9[%get3A_537] {strides = array<i32>} : memref<1024xi32, #tpu.memory_space<vmem>>, vector<16xi32>,
    %gather3A_539 = tpu.vector_load_idx %arg8[%get3A_538] : memref<1000xf32, #tpu.memory_space<vmem>>[vector<16xi32>], vector<16xf32>,
    %get3A_540 = arith.constant 624 : index
    %get3A_541 = tpu.vector_load %arg10[%get3A_540] {strides = array<i32>} : memref<1024xf32, #tpu.memory_space<vmem>>, vector<16xf32>,
    %mul3A_542 = arith.mulf %get3A_13, %get3A_541 : vector<16xf32>
    %add3A_543 = arith.addf %gather3A_539, %mul3A_542 : vector<16xf32>
    %get3A_544 = arith.constant 624 : index
    %get3A_545 = tpu.vector_load %arg11[%get3A_544] {strides = array<i32>} : memref<1024xf32, #tpu.memory_space<vmem>>, vector<16xf32>,
    %mul3A_546 = arith.mulf %get3A_15, %get3A_545 : vector<16xf32>
    %add3A_547 = arith.addf %add3A_543, %mul3A_546 : vector<16xf32>
    %swap3A_548 = arith.constant 624 : index
    %swap3A_549 = tpu.vector_load %arg12[%swap3A_548] {strides = array<i32>} : memref<1024xf32, #tpu.memory_space<vmem>>, vector<16xf32>,
    tpu.vector_store %arg12[%swap3A_548], %add3A_547 {strides = array<i32>} : memref<1024xf32, #tpu.memory_space<vmem>>, vector<16xf32>,
    %get3A_550 = arith.constant 640 : index
    %get3A_551 = tpu.vector_load %arg9[%get3A_550] {strides = array<i32>} : memref<1024xi32, #tpu.memory_space<vmem>>, vector<16xi32>,
    %gather3A_552 = tpu.vector_load_idx %arg8[%get3A_551] : memref<1000xf32, #tpu.memory_space<vmem>>[vector<16xi32>], vector<16xf32>,
    %get3A_553 = arith.constant 640 : index
    %get3A_554 = tpu.vector_load %arg10[%get3A_553] {strides = array<i32>} : memref<1024xf32, #tpu.memory_space<vmem>>, vector<16xf32>,
    %mul3A_555 = arith.mulf %get3A_13, %get3A_554 : vector<16xf32>
    %add3A_556 = arith.addf %gather3A_552, %mul3A_555 : vector<16xf32>
    %get3A_557 = arith.constant 640 : index
    %get3A_558 = tpu.vector_load %arg11[%get3A_557] {strides = array<i32>} : memref<1024xf32, #tpu.memory_space<vmem>>, vector<16xf32>,
    %mul3A_559 = arith.mulf %get3A_15, %get3A_558 : vector<16xf32>
    %add3A_560 = arith.addf %add3A_556, %mul3A_559 : vector<16xf32>
    %swap3A_561 = arith.constant 640 : index
    %swap3A_562 = tpu.vector_load %arg12[%swap3A_561] {strides = array<i32>} : memref<1024xf32, #tpu.memory_space<vmem>>, vector<16xf32>,
    tpu.vector_store %arg12[%swap3A_561], %add3A_560 {strides = array<i32>} : memref<1024xf32, #tpu.memory_space<vmem>>, vector<16xf32>,
    %get3A_563 = arith.constant 656 : index
    %get3A_564 = tpu.vector_load %arg9[%get3A_563] {strides = array<i32>} : memref<1024xi32, #tpu.memory_space<vmem>>, vector<16xi32>,
    %gather3A_565 = tpu.vector_load_idx %arg8[%get3A_564] : memref<1000xf32, #tpu.memory_space<vmem>>[vector<16xi32>], vector<16xf32>,
    %get3A_566 = arith.constant 656 : index
    %get3A_567 = tpu.vector_load %arg10[%get3A_566] {strides = array<i32>} : memref<1024xf32, #tpu.memory_space<vmem>>, vector<16xf32>,
    %mul3A_568 = arith.mulf %get3A_13, %get3A_567 : vector<16xf32>
    %add3A_569 = arith.addf %gather3A_565, %mul3A_568 : vector<16xf32>
    %get3A_570 = arith.constant 656 : index
    %get3A_571 = tpu.vector_load %arg11[%get3A_570] {strides = array<i32>} : memref<1024xf32, #tpu.memory_space<vmem>>, vector<16xf32>,
    %mul3A_572 = arith.mulf %get3A_15, %get3A_571 : vector<16xf32>
    %add3A_573 = arith.addf %add3A_569, %mul3A_572 : vector<16xf32>
    %swap3A_574 = arith.constant 656 : index
    %swap3A_575 = tpu.vector_load %arg12[%swap3A_574] {strides = array<i32>} : memref<1024xf32, #tpu.memory_space<vmem>>, vector<16xf32>,
    tpu.vector_store %arg12[%swap3A_574], %add3A_573 {strides = array<i32>} : memref<1024xf32, #tpu.memory_space<vmem>>, vector<16xf32>,
    %get3A_576 = arith.constant 672 : index
    %get3A_577 = tpu.vector_load %arg9[%get3A_576] {strides = array<i32>} : memref<1024xi32, #tpu.memory_space<vmem>>, vector<16xi32>,
    %gather3A_578 = tpu.vector_load_idx %arg8[%get3A_577] : memref<1000xf32, #tpu.memory_space<vmem>>[vector<16xi32>], vector<16xf32>,
    %get3A_579 = arith.constant 672 : index
    %get3A_580 = tpu.vector_load %arg10[%get3A_579] {strides = array<i32>} : memref<1024xf32, #tpu.memory_space<vmem>>, vector<16xf32>,
    %mul3A_581 = arith.mulf %get3A_13, %get3A_580 : vector<16xf32>
    %add3A_582 = arith.addf %gather3A_578, %mul3A_581 : vector<16xf32>
    %get3A_583 = arith.constant 672 : index
    %get3A_584 = tpu.vector_load %arg11[%get3A_583] {strides = array<i32>} : memref<1024xf32, #tpu.memory_space<vmem>>, vector<16xf32>,
    %mul3A_585 = arith.mulf %get3A_15, %get3A_584 : vector<16xf32>
    %add3A_586 = arith.addf %add3A_582, %mul3A_585 : vector<16xf32>
    %swap3A_587 = arith.constant 672 : index
    %swap3A_588 = tpu.vector_load %arg12[%swap3A_587] {strides = array<i32>} : memref<1024xf32, #tpu.memory_space<vmem>>, vector<16xf32>,
    tpu.vector_store %arg12[%swap3A_587], %add3A_586 {strides = array<i32>} : memref<1024xf32, #tpu.memory_space<vmem>>, vector<16xf32>,
    %get3A_589 = arith.constant 688 : index
    %get3A_590 = tpu.vector_load %arg9[%get3A_589] {strides = array<i32>} : memref<1024xi32, #tpu.memory_space<vmem>>, vector<16xi32>,
    %gather3A_591 = tpu.vector_load_idx %arg8[%get3A_590] : memref<1000xf32, #tpu.memory_space<vmem>>[vector<16xi32>], vector<16xf32>,
    %get3A_592 = arith.constant 688 : index
    %get3A_593 = tpu.vector_load %arg10[%get3A_592] {strides = array<i32>} : memref<1024xf32, #tpu.memory_space<vmem>>, vector<16xf32>,
    %mul3A_594 = arith.mulf %get3A_13, %get3A_593 : vector<16xf32>
    %add3A_595 = arith.addf %gather3A_591, %mul3A_594 : vector<16xf32>
    %get3A_596 = arith.constant 688 : index
    %get3A_597 = tpu.vector_load %arg11[%get3A_596] {strides = array<i32>} : memref<1024xf32, #tpu.memory_space<vmem>>, vector<16xf32>,
    %mul3A_598 = arith.mulf %get3A_15, %get3A_597 : vector<16xf32>
    %add3A_599 = arith.addf %add3A_595, %mul3A_598 : vector<16xf32>
    %swap3A_600 = arith.constant 688 : index
    %swap3A_601 = tpu.vector_load %arg12[%swap3A_600] {strides = array<i32>} : memref<1024xf32, #tpu.memory_space<vmem>>, vector<16xf32>,
    tpu.vector_store %arg12[%swap3A_600], %add3A_599 {strides = array<i32>} : memref<1024xf32, #tpu.memory_space<vmem>>, vector<16xf32>,
    %get3A_602 = arith.constant 704 : index
    %get3A_603 = tpu.vector_load %arg9[%get3A_602] {strides = array<i32>} : memref<1024xi32, #tpu.memory_space<vmem>>, vector<16xi32>,
    %gather3A_604 = tpu.vector_load_idx %arg8[%get3A_603] : memref<1000xf32, #tpu.memory_space<vmem>>[vector<16xi32>], vector<16xf32>,
    %get3A_605 = arith.constant 704 : index
    %get3A_606 = tpu.vector_load %arg10[%get3A_605] {strides = array<i32>} : memref<1024xf32, #tpu.memory_space<vmem>>, vector<16xf32>,
    %mul3A_607 = arith.mulf %get3A_13, %get3A_606 : vector<16xf32>
    %add3A_608 = arith.addf %gather3A_604, %mul3A_607 : vector<16xf32>
    %get3A_609 = arith.constant 704 : index
    %get3A_610 = tpu.vector_load %arg11[%get3A_609] {strides = array<i32>} : memref<1024xf32, #tpu.memory_space<vmem>>, vector<16xf32>,
    %mul3A_611 = arith.mulf %get3A_15, %get3A_610 : vector<16xf32>
    %add3A_612 = arith.addf %add3A_608, %mul3A_611 : vector<16xf32>
    %swap3A_613 = arith.constant 704 : index
    %swap3A_614 = tpu.vector_load %arg12[%swap3A_613] {strides = array<i32>} : memref<1024xf32, #tpu.memory_space<vmem>>, vector<16xf32>,
    tpu.vector_store %arg12[%swap3A_613], %add3A_612 {strides = array<i32>} : memref<1024xf32, #tpu.memory_space<vmem>>, vector<16xf32>,
    %get3A_615 = arith.constant 720 : index
    %get3A_616 = tpu.vector_load %arg9[%get3A_615] {strides = array<i32>} : memref<1024xi32, #tpu.memory_space<vmem>>, vector<16xi32>,
    %gather3A_617 = tpu.vector_load_idx %arg8[%get3A_616] : memref<1000xf32, #tpu.memory_space<vmem>>[vector<16xi32>], vector<16xf32>,
    %get3A_618 = arith.constant 720 : index
    %get3A_619 = tpu.vector_load %arg10[%get3A_618] {strides = array<i32>} : memref<1024xf32, #tpu.memory_space<vmem>>, vector<16xf32>,
    %mul3A_620 = arith.mulf %get3A_13, %get3A_619 : vector<16xf32>
    %add3A_621 = arith.addf %gather3A_617, %mul3A_620 : vector<16xf32>
    %get3A_622 = arith.constant 720 : index
    %get3A_623 = tpu.vector_load %arg11[%get3A_622] {strides = array<i32>} : memref<1024xf32, #tpu.memory_space<vmem>>, vector<16xf32>,
    %mul3A_624 = arith.mulf %get3A_15, %get3A_623 : vector<16xf32>
    %add3A_625 = arith.addf %add3A_621, %mul3A_624 : vector<16xf32>
    %swap3A_626 = arith.constant 720 : index
    %swap3A_627 = tpu.vector_load %arg12[%swap3A_626] {strides = array<i32>} : memref<1024xf32, #tpu.memory_space<vmem>>, vector<16xf32>,
    tpu.vector_store %arg12[%swap3A_626], %add3A_625 {strides = array<i32>} : memref<1024xf32, #tpu.memory_space<vmem>>, vector<16xf32>,
    %get3A_628 = arith.constant 736 : index
    %get3A_629 = tpu.vector_load %arg9[%get3A_628] {strides = array<i32>} : memref<1024xi32, #tpu.memory_space<vmem>>, vector<16xi32>,
    %gather3A_630 = tpu.vector_load_idx %arg8[%get3A_629] : memref<1000xf32, #tpu.memory_space<vmem>>[vector<16xi32>], vector<16xf32>,
    %get3A_631 = arith.constant 736 : index
    %get3A_632 = tpu.vector_load %arg10[%get3A_631] {strides = array<i32>} : memref<1024xf32, #tpu.memory_space<vmem>>, vector<16xf32>,
    %mul3A_633 = arith.mulf %get3A_13, %get3A_632 : vector<16xf32>
    %add3A_634 = arith.addf %gather3A_630, %mul3A_633 : vector<16xf32>
    %get3A_635 = arith.constant 736 : index
    %get3A_636 = tpu.vector_load %arg11[%get3A_635] {strides = array<i32>} : memref<1024xf32, #tpu.memory_space<vmem>>, vector<16xf32>,
    %mul3A_637 = arith.mulf %get3A_15, %get3A_636 : vector<16xf32>
    %add3A_638 = arith.addf %add3A_634, %mul3A_637 : vector<16xf32>
    %swap3A_639 = arith.constant 736 : index
    %swap3A_640 = tpu.vector_load %arg12[%swap3A_639] {strides = array<i32>} : memref<1024xf32, #tpu.memory_space<vmem>>, vector<16xf32>,
    tpu.vector_store %arg12[%swap3A_639], %add3A_638 {strides = array<i32>} : memref<1024xf32, #tpu.memory_space<vmem>>, vector<16xf32>,
    %get3A_641 = arith.constant 752 : index
    %get3A_642 = tpu.vector_load %arg9[%get3A_641] {strides = array<i32>} : memref<1024xi32, #tpu.memory_space<vmem>>, vector<16xi32>,
    %gather3A_643 = tpu.vector_load_idx %arg8[%get3A_642] : memref<1000xf32, #tpu.memory_space<vmem>>[vector<16xi32>], vector<16xf32>,
    %get3A_644 = arith.constant 752 : index
    %get3A_645 = tpu.vector_load %arg10[%get3A_644] {strides = array<i32>} : memref<1024xf32, #tpu.memory_space<vmem>>, vector<16xf32>,
    %mul3A_646 = arith.mulf %get3A_13, %get3A_645 : vector<16xf32>
    %add3A_647 = arith.addf %gather3A_643, %mul3A_646 : vector<16xf32>
    %get3A_648 = arith.constant 752 : index
    %get3A_649 = tpu.vector_load %arg11[%get3A_648] {strides = array<i32>} : memref<1024xf32, #tpu.memory_space<vmem>>, vector<16xf32>,
    %mul3A_650 = arith.mulf %get3A_15, %get3A_649 : vector<16xf32>
    %add3A_651 = arith.addf %add3A_647, %mul3A_650 : vector<16xf32>
    %swap3A_652 = arith.constant 752 : index
    %swap3A_653 = tpu.vector_load %arg12[%swap3A_652] {strides = array<i32>} : memref<1024xf32, #tpu.memory_space<vmem>>, vector<16xf32>,
    tpu.vector_store %arg12[%swap3A_652], %add3A_651 {strides = array<i32>} : memref<1024xf32, #tpu.memory_space<vmem>>, vector<16xf32>,
    %add3A_654 = arith.constant 512 : i32
    %add3A_655 = arith.addi %mul3A_2, %add3A_654 : i32
    %dma_start3A_656 = arith.constant 512 : i32
    %dma_start3A_657 = tpu.memref_slice %arg12[%dma_start3A_656] : memref<1024xf32, #tpu.memory_space<vmem>> -> memref<256xf32, #tpu.memory_space<vmem>>
    %dma_start3A_658 = tpu.memref_slice %arg7[%add3A_655] : memref<16384xf32, #tpu.memory_space<hbm>> -> memref<256xf32, #tpu.memory_space<hbm>>
    %dma_start3A_659 = tpu.memref_slice %arg7[%add3A_655] : memref<16384xf32, #tpu.memory_space<hbm>> -> memref<256xf32, #tpu.memory_space<hbm>>
    %dma_start3A_660 = arith.constant 512 : i32
    %dma_start3A_661 = tpu.memref_slice %arg12[%dma_start3A_660] : memref<1024xf32, #tpu.memory_space<vmem>> -> memref<256xf32, #tpu.memory_space<vmem>>
    tpu.enqueue_dma source(%dma_start3A_661 : memref<256xf32, #tpu.memory_space<vmem>>) target(%dma_start3A_659 : memref<256xf32, #tpu.memory_space<hbm>>) target_semaphore(%arg15 : memref<!tpu.dma_semaphore, #tpu.memory_space<semaphore_mem>>)
    %get3A_662 = arith.constant 768 : index
    %get3A_663 = tpu.vector_load %arg9[%get3A_662] {strides = array<i32>} : memref<1024xi32, #tpu.memory_space<vmem>>, vector<16xi32>,
    %gather3A_664 = tpu.vector_load_idx %arg8[%get3A_663] : memref<1000xf32, #tpu.memory_space<vmem>>[vector<16xi32>], vector<16xf32>,
    %get3A_665 = arith.constant 768 : index
    %get3A_666 = tpu.vector_load %arg10[%get3A_665] {strides = array<i32>} : memref<1024xf32, #tpu.memory_space<vmem>>, vector<16xf32>,
    %mul3A_667 = arith.mulf %get3A_13, %get3A_666 : vector<16xf32>
    %add3A_668 = arith.addf %gather3A_664, %mul3A_667 : vector<16xf32>
    %get3A_669 = arith.constant 768 : index
    %get3A_670 = tpu.vector_load %arg11[%get3A_669] {strides = array<i32>} : memref<1024xf32, #tpu.memory_space<vmem>>, vector<16xf32>,
    %mul3A_671 = arith.mulf %get3A_15, %get3A_670 : vector<16xf32>
    %add3A_672 = arith.addf %add3A_668, %mul3A_671 : vector<16xf32>
    %swap3A_673 = arith.constant 768 : index
    %swap3A_674 = tpu.vector_load %arg12[%swap3A_673] {strides = array<i32>} : memref<1024xf32, #tpu.memory_space<vmem>>, vector<16xf32>,
    tpu.vector_store %arg12[%swap3A_673], %add3A_672 {strides = array<i32>} : memref<1024xf32, #tpu.memory_space<vmem>>, vector<16xf32>,
    %get3A_675 = arith.constant 784 : index
    %get3A_676 = tpu.vector_load %arg9[%get3A_675] {strides = array<i32>} : memref<1024xi32, #tpu.memory_space<vmem>>, vector<16xi32>,
    %gather3A_677 = tpu.vector_load_idx %arg8[%get3A_676] : memref<1000xf32, #tpu.memory_space<vmem>>[vector<16xi32>], vector<16xf32>,
    %get3A_678 = arith.constant 784 : index
    %get3A_679 = tpu.vector_load %arg10[%get3A_678] {strides = array<i32>} : memref<1024xf32, #tpu.memory_space<vmem>>, vector<16xf32>,
    %mul3A_680 = arith.mulf %get3A_13, %get3A_679 : vector<16xf32>
    %add3A_681 = arith.addf %gather3A_677, %mul3A_680 : vector<16xf32>
    %get3A_682 = arith.constant 784 : index
    %get3A_683 = tpu.vector_load %arg11[%get3A_682] {strides = array<i32>} : memref<1024xf32, #tpu.memory_space<vmem>>, vector<16xf32>,
    %mul3A_684 = arith.mulf %get3A_15, %get3A_683 : vector<16xf32>
    %add3A_685 = arith.addf %add3A_681, %mul3A_684 : vector<16xf32>
    %swap3A_686 = arith.constant 784 : index
    %swap3A_687 = tpu.vector_load %arg12[%swap3A_686] {strides = array<i32>} : memref<1024xf32, #tpu.memory_space<vmem>>, vector<16xf32>,
    tpu.vector_store %arg12[%swap3A_686], %add3A_685 {strides = array<i32>} : memref<1024xf32, #tpu.memory_space<vmem>>, vector<16xf32>,
    %get3A_688 = arith.constant 800 : index
    %get3A_689 = tpu.vector_load %arg9[%get3A_688] {strides = array<i32>} : memref<1024xi32, #tpu.memory_space<vmem>>, vector<16xi32>,
    %gather3A_690 = tpu.vector_load_idx %arg8[%get3A_689] : memref<1000xf32, #tpu.memory_space<vmem>>[vector<16xi32>], vector<16xf32>,
    %get3A_691 = arith.constant 800 : index
    %get3A_692 = tpu.vector_load %arg10[%get3A_691] {strides = array<i32>} : memref<1024xf32, #tpu.memory_space<vmem>>, vector<16xf32>,
    %mul3A_693 = arith.mulf %get3A_13, %get3A_692 : vector<16xf32>
    %add3A_694 = arith.addf %gather3A_690, %mul3A_693 : vector<16xf32>
    %get3A_695 = arith.constant 800 : index
    %get3A_696 = tpu.vector_load %arg11[%get3A_695] {strides = array<i32>} : memref<1024xf32, #tpu.memory_space<vmem>>, vector<16xf32>,
    %mul3A_697 = arith.mulf %get3A_15, %get3A_696 : vector<16xf32>
    %add3A_698 = arith.addf %add3A_694, %mul3A_697 : vector<16xf32>
    %swap3A_699 = arith.constant 800 : index
    %swap3A_700 = tpu.vector_load %arg12[%swap3A_699] {strides = array<i32>} : memref<1024xf32, #tpu.memory_space<vmem>>, vector<16xf32>,
    tpu.vector_store %arg12[%swap3A_699], %add3A_698 {strides = array<i32>} : memref<1024xf32, #tpu.memory_space<vmem>>, vector<16xf32>,
    %get3A_701 = arith.constant 816 : index
    %get3A_702 = tpu.vector_load %arg9[%get3A_701] {strides = array<i32>} : memref<1024xi32, #tpu.memory_space<vmem>>, vector<16xi32>,
    %gather3A_703 = tpu.vector_load_idx %arg8[%get3A_702] : memref<1000xf32, #tpu.memory_space<vmem>>[vector<16xi32>], vector<16xf32>,
    %get3A_704 = arith.constant 816 : index
    %get3A_705 = tpu.vector_load %arg10[%get3A_704] {strides = array<i32>} : memref<1024xf32, #tpu.memory_space<vmem>>, vector<16xf32>,
    %mul3A_706 = arith.mulf %get3A_13, %get3A_705 : vector<16xf32>
    %add3A_707 = arith.addf %gather3A_703, %mul3A_706 : vector<16xf32>
    %get3A_708 = arith.constant 816 : index
    %get3A_709 = tpu.vector_load %arg11[%get3A_708] {strides = array<i32>} : memref<1024xf32, #tpu.memory_space<vmem>>, vector<16xf32>,
    %mul3A_710 = arith.mulf %get3A_15, %get3A_709 : vector<16xf32>
    %add3A_711 = arith.addf %add3A_707, %mul3A_710 : vector<16xf32>
    %swap3A_712 = arith.constant 816 : index
    %swap3A_713 = tpu.vector_load %arg12[%swap3A_712] {strides = array<i32>} : memref<1024xf32, #tpu.memory_space<vmem>>, vector<16xf32>,
    tpu.vector_store %arg12[%swap3A_712], %add3A_711 {strides = array<i32>} : memref<1024xf32, #tpu.memory_space<vmem>>, vector<16xf32>,
    %get3A_714 = arith.constant 832 : index
    %get3A_715 = tpu.vector_load %arg9[%get3A_714] {strides = array<i32>} : memref<1024xi32, #tpu.memory_space<vmem>>, vector<16xi32>,
    %gather3A_716 = tpu.vector_load_idx %arg8[%get3A_715] : memref<1000xf32, #tpu.memory_space<vmem>>[vector<16xi32>], vector<16xf32>,
    %get3A_717 = arith.constant 832 : index
    %get3A_718 = tpu.vector_load %arg10[%get3A_717] {strides = array<i32>} : memref<1024xf32, #tpu.memory_space<vmem>>, vector<16xf32>,
    %mul3A_719 = arith.mulf %get3A_13, %get3A_718 : vector<16xf32>
    %add3A_720 = arith.addf %gather3A_716, %mul3A_719 : vector<16xf32>
    %get3A_721 = arith.constant 832 : index
    %get3A_722 = tpu.vector_load %arg11[%get3A_721] {strides = array<i32>} : memref<1024xf32, #tpu.memory_space<vmem>>, vector<16xf32>,
    %mul3A_723 = arith.mulf %get3A_15, %get3A_722 : vector<16xf32>
    %add3A_724 = arith.addf %add3A_720, %mul3A_723 : vector<16xf32>
    %swap3A_725 = arith.constant 832 : index
    %swap3A_726 = tpu.vector_load %arg12[%swap3A_725] {strides = array<i32>} : memref<1024xf32, #tpu.memory_space<vmem>>, vector<16xf32>,
    tpu.vector_store %arg12[%swap3A_725], %add3A_724 {strides = array<i32>} : memref<1024xf32, #tpu.memory_space<vmem>>, vector<16xf32>,
    %get3A_727 = arith.constant 848 : index
    %get3A_728 = tpu.vector_load %arg9[%get3A_727] {strides = array<i32>} : memref<1024xi32, #tpu.memory_space<vmem>>, vector<16xi32>,
    %gather3A_729 = tpu.vector_load_idx %arg8[%get3A_728] : memref<1000xf32, #tpu.memory_space<vmem>>[vector<16xi32>], vector<16xf32>,
    %get3A_730 = arith.constant 848 : index
    %get3A_731 = tpu.vector_load %arg10[%get3A_730] {strides = array<i32>} : memref<1024xf32, #tpu.memory_space<vmem>>, vector<16xf32>,
    %mul3A_732 = arith.mulf %get3A_13, %get3A_731 : vector<16xf32>
    %add3A_733 = arith.addf %gather3A_729, %mul3A_732 : vector<16xf32>
    %get3A_734 = arith.constant 848 : index
    %get3A_735 = tpu.vector_load %arg11[%get3A_734] {strides = array<i32>} : memref<1024xf32, #tpu.memory_space<vmem>>, vector<16xf32>,
    %mul3A_736 = arith.mulf %get3A_15, %get3A_735 : vector<16xf32>
    %add3A_737 = arith.addf %add3A_733, %mul3A_736 : vector<16xf32>
    %swap3A_738 = arith.constant 848 : index
    %swap3A_739 = tpu.vector_load %arg12[%swap3A_738] {strides = array<i32>} : memref<1024xf32, #tpu.memory_space<vmem>>, vector<16xf32>,
    tpu.vector_store %arg12[%swap3A_738], %add3A_737 {strides = array<i32>} : memref<1024xf32, #tpu.memory_space<vmem>>, vector<16xf32>,
    %get3A_740 = arith.constant 864 : index
    %get3A_741 = tpu.vector_load %arg9[%get3A_740] {strides = array<i32>} : memref<1024xi32, #tpu.memory_space<vmem>>, vector<16xi32>,
    %gather3A_742 = tpu.vector_load_idx %arg8[%get3A_741] : memref<1000xf32, #tpu.memory_space<vmem>>[vector<16xi32>], vector<16xf32>,
    %get3A_743 = arith.constant 864 : index
    %get3A_744 = tpu.vector_load %arg10[%get3A_743] {strides = array<i32>} : memref<1024xf32, #tpu.memory_space<vmem>>, vector<16xf32>,
    %mul3A_745 = arith.mulf %get3A_13, %get3A_744 : vector<16xf32>
    %add3A_746 = arith.addf %gather3A_742, %mul3A_745 : vector<16xf32>
    %get3A_747 = arith.constant 864 : index
    %get3A_748 = tpu.vector_load %arg11[%get3A_747] {strides = array<i32>} : memref<1024xf32, #tpu.memory_space<vmem>>, vector<16xf32>,
    %mul3A_749 = arith.mulf %get3A_15, %get3A_748 : vector<16xf32>
    %add3A_750 = arith.addf %add3A_746, %mul3A_749 : vector<16xf32>
    %swap3A_751 = arith.constant 864 : index
    %swap3A_752 = tpu.vector_load %arg12[%swap3A_751] {strides = array<i32>} : memref<1024xf32, #tpu.memory_space<vmem>>, vector<16xf32>,
    tpu.vector_store %arg12[%swap3A_751], %add3A_750 {strides = array<i32>} : memref<1024xf32, #tpu.memory_space<vmem>>, vector<16xf32>,
    %get3A_753 = arith.constant 880 : index
    %get3A_754 = tpu.vector_load %arg9[%get3A_753] {strides = array<i32>} : memref<1024xi32, #tpu.memory_space<vmem>>, vector<16xi32>,
    %gather3A_755 = tpu.vector_load_idx %arg8[%get3A_754] : memref<1000xf32, #tpu.memory_space<vmem>>[vector<16xi32>], vector<16xf32>,
    %get3A_756 = arith.constant 880 : index
    %get3A_757 = tpu.vector_load %arg10[%get3A_756] {strides = array<i32>} : memref<1024xf32, #tpu.memory_space<vmem>>, vector<16xf32>,
    %mul3A_758 = arith.mulf %get3A_13, %get3A_757 : vector<16xf32>
    %add3A_759 = arith.addf %gather3A_755, %mul3A_758 : vector<16xf32>
    %get3A_760 = arith.constant 880 : index
    %get3A_761 = tpu.vector_load %arg11[%get3A_760] {strides = array<i32>} : memref<1024xf32, #tpu.memory_space<vmem>>, vector<16xf32>,
    %mul3A_762 = arith.mulf %get3A_15, %get3A_761 : vector<16xf32>
    %add3A_763 = arith.addf %add3A_759, %mul3A_762 : vector<16xf32>
    %swap3A_764 = arith.constant 880 : index
    %swap3A_765 = tpu.vector_load %arg12[%swap3A_764] {strides = array<i32>} : memref<1024xf32, #tpu.memory_space<vmem>>, vector<16xf32>,
    tpu.vector_store %arg12[%swap3A_764], %add3A_763 {strides = array<i32>} : memref<1024xf32, #tpu.memory_space<vmem>>, vector<16xf32>,
    %get3A_766 = arith.constant 896 : index
    %get3A_767 = tpu.vector_load %arg9[%get3A_766] {strides = array<i32>} : memref<1024xi32, #tpu.memory_space<vmem>>, vector<16xi32>,
    %gather3A_768 = tpu.vector_load_idx %arg8[%get3A_767] : memref<1000xf32, #tpu.memory_space<vmem>>[vector<16xi32>], vector<16xf32>,
    %get3A_769 = arith.constant 896 : index
    %get3A_770 = tpu.vector_load %arg10[%get3A_769] {strides = array<i32>} : memref<1024xf32, #tpu.memory_space<vmem>>, vector<16xf32>,
    %mul3A_771 = arith.mulf %get3A_13, %get3A_770 : vector<16xf32>
    %add3A_772 = arith.addf %gather3A_768, %mul3A_771 : vector<16xf32>
    %get3A_773 = arith.constant 896 : index
    %get3A_774 = tpu.vector_load %arg11[%get3A_773] {strides = array<i32>} : memref<1024xf32, #tpu.memory_space<vmem>>, vector<16xf32>,
    %mul3A_775 = arith.mulf %get3A_15, %get3A_774 : vector<16xf32>
    %add3A_776 = arith.addf %add3A_772, %mul3A_775 : vector<16xf32>
    %swap3A_777 = arith.constant 896 : index
    %swap3A_778 = tpu.vector_load %arg12[%swap3A_777] {strides = array<i32>} : memref<1024xf32, #tpu.memory_space<vmem>>, vector<16xf32>,
    tpu.vector_store %arg12[%swap3A_777], %add3A_776 {strides = array<i32>} : memref<1024xf32, #tpu.memory_space<vmem>>, vector<16xf32>,
    %get3A_779 = arith.constant 912 : index
    %get3A_780 = tpu.vector_load %arg9[%get3A_779] {strides = array<i32>} : memref<1024xi32, #tpu.memory_space<vmem>>, vector<16xi32>,
    %gather3A_781 = tpu.vector_load_idx %arg8[%get3A_780] : memref<1000xf32, #tpu.memory_space<vmem>>[vector<16xi32>], vector<16xf32>,
    %get3A_782 = arith.constant 912 : index
    %get3A_783 = tpu.vector_load %arg10[%get3A_782] {strides = array<i32>} : memref<1024xf32, #tpu.memory_space<vmem>>, vector<16xf32>,
    %mul3A_784 = arith.mulf %get3A_13, %get3A_783 : vector<16xf32>
    %add3A_785 = arith.addf %gather3A_781, %mul3A_784 : vector<16xf32>
    %get3A_786 = arith.constant 912 : index
    %get3A_787 = tpu.vector_load %arg11[%get3A_786] {strides = array<i32>} : memref<1024xf32, #tpu.memory_space<vmem>>, vector<16xf32>,
    %mul3A_788 = arith.mulf %get3A_15, %get3A_787 : vector<16xf32>
    %add3A_789 = arith.addf %add3A_785, %mul3A_788 : vector<16xf32>
    %swap3A_790 = arith.constant 912 : index
    %swap3A_791 = tpu.vector_load %arg12[%swap3A_790] {strides = array<i32>} : memref<1024xf32, #tpu.memory_space<vmem>>, vector<16xf32>,
    tpu.vector_store %arg12[%swap3A_790], %add3A_789 {strides = array<i32>} : memref<1024xf32, #tpu.memory_space<vmem>>, vector<16xf32>,
    %get3A_792 = arith.constant 928 : index
    %get3A_793 = tpu.vector_load %arg9[%get3A_792] {strides = array<i32>} : memref<1024xi32, #tpu.memory_space<vmem>>, vector<16xi32>,
    %gather3A_794 = tpu.vector_load_idx %arg8[%get3A_793] : memref<1000xf32, #tpu.memory_space<vmem>>[vector<16xi32>], vector<16xf32>,
    %get3A_795 = arith.constant 928 : index
    %get3A_796 = tpu.vector_load %arg10[%get3A_795] {strides = array<i32>} : memref<1024xf32, #tpu.memory_space<vmem>>, vector<16xf32>,
    %mul3A_797 = arith.mulf %get3A_13, %get3A_796 : vector<16xf32>
    %add3A_798 = arith.addf %gather3A_794, %mul3A_797 : vector<16xf32>
    %get3A_799 = arith.constant 928 : index
    %get3A_800 = tpu.vector_load %arg11[%get3A_799] {strides = array<i32>} : memref<1024xf32, #tpu.memory_space<vmem>>, vector<16xf32>,
    %mul3A_801 = arith.mulf %get3A_15, %get3A_800 : vector<16xf32>
    %add3A_802 = arith.addf %add3A_798, %mul3A_801 : vector<16xf32>
    %swap3A_803 = arith.constant 928 : index
    %swap3A_804 = tpu.vector_load %arg12[%swap3A_803] {strides = array<i32>} : memref<1024xf32, #tpu.memory_space<vmem>>, vector<16xf32>,
    tpu.vector_store %arg12[%swap3A_803], %add3A_802 {strides = array<i32>} : memref<1024xf32, #tpu.memory_space<vmem>>, vector<16xf32>,
    %get3A_805 = arith.constant 944 : index
    %get3A_806 = tpu.vector_load %arg9[%get3A_805] {strides = array<i32>} : memref<1024xi32, #tpu.memory_space<vmem>>, vector<16xi32>,
    %gather3A_807 = tpu.vector_load_idx %arg8[%get3A_806] : memref<1000xf32, #tpu.memory_space<vmem>>[vector<16xi32>], vector<16xf32>,
    %get3A_808 = arith.constant 944 : index
    %get3A_809 = tpu.vector_load %arg10[%get3A_808] {strides = array<i32>} : memref<1024xf32, #tpu.memory_space<vmem>>, vector<16xf32>,
    %mul3A_810 = arith.mulf %get3A_13, %get3A_809 : vector<16xf32>
    %add3A_811 = arith.addf %gather3A_807, %mul3A_810 : vector<16xf32>
    %get3A_812 = arith.constant 944 : index
    %get3A_813 = tpu.vector_load %arg11[%get3A_812] {strides = array<i32>} : memref<1024xf32, #tpu.memory_space<vmem>>, vector<16xf32>,
    %mul3A_814 = arith.mulf %get3A_15, %get3A_813 : vector<16xf32>
    %add3A_815 = arith.addf %add3A_811, %mul3A_814 : vector<16xf32>
    %swap3A_816 = arith.constant 944 : index
    %swap3A_817 = tpu.vector_load %arg12[%swap3A_816] {strides = array<i32>} : memref<1024xf32, #tpu.memory_space<vmem>>, vector<16xf32>,
    tpu.vector_store %arg12[%swap3A_816], %add3A_815 {strides = array<i32>} : memref<1024xf32, #tpu.memory_space<vmem>>, vector<16xf32>,
    %get3A_818 = arith.constant 960 : index
    %get3A_819 = tpu.vector_load %arg9[%get3A_818] {strides = array<i32>} : memref<1024xi32, #tpu.memory_space<vmem>>, vector<16xi32>,
    %gather3A_820 = tpu.vector_load_idx %arg8[%get3A_819] : memref<1000xf32, #tpu.memory_space<vmem>>[vector<16xi32>], vector<16xf32>,
    %get3A_821 = arith.constant 960 : index
    %get3A_822 = tpu.vector_load %arg10[%get3A_821] {strides = array<i32>} : memref<1024xf32, #tpu.memory_space<vmem>>, vector<16xf32>,
    %mul3A_823 = arith.mulf %get3A_13, %get3A_822 : vector<16xf32>
    %add3A_824 = arith.addf %gather3A_820, %mul3A_823 : vector<16xf32>
    %get3A_825 = arith.constant 960 : index
    %get3A_826 = tpu.vector_load %arg11[%get3A_825] {strides = array<i32>} : memref<1024xf32, #tpu.memory_space<vmem>>, vector<16xf32>,
    %mul3A_827 = arith.mulf %get3A_15, %get3A_826 : vector<16xf32>
    %add3A_828 = arith.addf %add3A_824, %mul3A_827 : vector<16xf32>
    %swap3A_829 = arith.constant 960 : index
    %swap3A_830 = tpu.vector_load %arg12[%swap3A_829] {strides = array<i32>} : memref<1024xf32, #tpu.memory_space<vmem>>, vector<16xf32>,
    tpu.vector_store %arg12[%swap3A_829], %add3A_828 {strides = array<i32>} : memref<1024xf32, #tpu.memory_space<vmem>>, vector<16xf32>,
    %get3A_831 = arith.constant 976 : index
    %get3A_832 = tpu.vector_load %arg9[%get3A_831] {strides = array<i32>} : memref<1024xi32, #tpu.memory_space<vmem>>, vector<16xi32>,
    %gather3A_833 = tpu.vector_load_idx %arg8[%get3A_832] : memref<1000xf32, #tpu.memory_space<vmem>>[vector<16xi32>], vector<16xf32>,
    %get3A_834 = arith.constant 976 : index
    %get3A_835 = tpu.vector_load %arg10[%get3A_834] {strides = array<i32>} : memref<1024xf32, #tpu.memory_space<vmem>>, vector<16xf32>,
    %mul3A_836 = arith.mulf %get3A_13, %get3A_835 : vector<16xf32>
    %add3A_837 = arith.addf %gather3A_833, %mul3A_836 : vector<16xf32>
    %get3A_838 = arith.constant 976 : index
    %get3A_839 = tpu.vector_load %arg11[%get3A_838] {strides = array<i32>} : memref<1024xf32, #tpu.memory_space<vmem>>, vector<16xf32>,
    %mul3A_840 = arith.mulf %get3A_15, %get3A_839 : vector<16xf32>
    %add3A_841 = arith.addf %add3A_837, %mul3A_840 : vector<16xf32>
    %swap3A_842 = arith.constant 976 : index
    %swap3A_843 = tpu.vector_load %arg12[%swap3A_842] {strides = array<i32>} : memref<1024xf32, #tpu.memory_space<vmem>>, vector<16xf32>,
    tpu.vector_store %arg12[%swap3A_842], %add3A_841 {strides = array<i32>} : memref<1024xf32, #tpu.memory_space<vmem>>, vector<16xf32>,
    %get3A_844 = arith.constant 992 : index
    %get3A_845 = tpu.vector_load %arg9[%get3A_844] {strides = array<i32>} : memref<1024xi32, #tpu.memory_space<vmem>>, vector<16xi32>,
    %gather3A_846 = tpu.vector_load_idx %arg8[%get3A_845] : memref<1000xf32, #tpu.memory_space<vmem>>[vector<16xi32>], vector<16xf32>,
    %get3A_847 = arith.constant 992 : index
    %get3A_848 = tpu.vector_load %arg10[%get3A_847] {strides = array<i32>} : memref<1024xf32, #tpu.memory_space<vmem>>, vector<16xf32>,
    %mul3A_849 = arith.mulf %get3A_13, %get3A_848 : vector<16xf32>
    %add3A_850 = arith.addf %gather3A_846, %mul3A_849 : vector<16xf32>
    %get3A_851 = arith.constant 992 : index
    %get3A_852 = tpu.vector_load %arg11[%get3A_851] {strides = array<i32>} : memref<1024xf32, #tpu.memory_space<vmem>>, vector<16xf32>,
    %mul3A_853 = arith.mulf %get3A_15, %get3A_852 : vector<16xf32>
    %add3A_854 = arith.addf %add3A_850, %mul3A_853 : vector<16xf32>
    %swap3A_855 = arith.constant 992 : index
    %swap3A_856 = tpu.vector_load %arg12[%swap3A_855] {strides = array<i32>} : memref<1024xf32, #tpu.memory_space<vmem>>, vector<16xf32>,
    tpu.vector_store %arg12[%swap3A_855], %add3A_854 {strides = array<i32>} : memref<1024xf32, #tpu.memory_space<vmem>>, vector<16xf32>,
    %get3A_857 = arith.constant 1008 : index
    %get3A_858 = tpu.vector_load %arg9[%get3A_857] {strides = array<i32>} : memref<1024xi32, #tpu.memory_space<vmem>>, vector<16xi32>,
    %gather3A_859 = tpu.vector_load_idx %arg8[%get3A_858] : memref<1000xf32, #tpu.memory_space<vmem>>[vector<16xi32>], vector<16xf32>,
    %get3A_860 = arith.constant 1008 : index
    %get3A_861 = tpu.vector_load %arg10[%get3A_860] {strides = array<i32>} : memref<1024xf32, #tpu.memory_space<vmem>>, vector<16xf32>,
    %mul3A_862 = arith.mulf %get3A_13, %get3A_861 : vector<16xf32>
    %add3A_863 = arith.addf %gather3A_859, %mul3A_862 : vector<16xf32>
    %get3A_864 = arith.constant 1008 : index
    %get3A_865 = tpu.vector_load %arg11[%get3A_864] {strides = array<i32>} : memref<1024xf32, #tpu.memory_space<vmem>>, vector<16xf32>,
    %mul3A_866 = arith.mulf %get3A_15, %get3A_865 : vector<16xf32>
    %add3A_867 = arith.addf %add3A_863, %mul3A_866 : vector<16xf32>
    %swap3A_868 = arith.constant 1008 : index
    %swap3A_869 = tpu.vector_load %arg12[%swap3A_868] {strides = array<i32>} : memref<1024xf32, #tpu.memory_space<vmem>>, vector<16xf32>,
    tpu.vector_store %arg12[%swap3A_868], %add3A_867 {strides = array<i32>} : memref<1024xf32, #tpu.memory_space<vmem>>, vector<16xf32>,
    %add3A_870 = arith.constant 768 : i32
    %add3A_871 = arith.addi %mul3A_2, %add3A_870 : i32
    %dma_start3A_872 = arith.constant 768 : i32
    %dma_start3A_873 = tpu.memref_slice %arg12[%dma_start3A_872] : memref<1024xf32, #tpu.memory_space<vmem>> -> memref<256xf32, #tpu.memory_space<vmem>>
    %dma_start3A_874 = tpu.memref_slice %arg7[%add3A_871] : memref<16384xf32, #tpu.memory_space<hbm>> -> memref<256xf32, #tpu.memory_space<hbm>>
    %dma_start3A_875 = tpu.memref_slice %arg7[%add3A_871] : memref<16384xf32, #tpu.memory_space<hbm>> -> memref<256xf32, #tpu.memory_space<hbm>>
    %dma_start3A_876 = arith.constant 768 : i32
    %dma_start3A_877 = tpu.memref_slice %arg12[%dma_start3A_876] : memref<1024xf32, #tpu.memory_space<vmem>> -> memref<256xf32, #tpu.memory_space<vmem>>
    tpu.enqueue_dma source(%dma_start3A_877 : memref<256xf32, #tpu.memory_space<vmem>>) target(%dma_start3A_875 : memref<256xf32, #tpu.memory_space<hbm>>) target_semaphore(%arg15 : memref<!tpu.dma_semaphore, #tpu.memory_space<semaphore_mem>>)
    %dma_wait3A_878 = arith.constant 0 : i32
    %dma_wait3A_879 = tpu.memref_slice %arg12[%dma_wait3A_878] : memref<1024xf32, #tpu.memory_space<vmem>> -> memref<256xf32, #tpu.memory_space<vmem>>
    %dma_wait3A_880 = tpu.memref_slice %arg7[%add3A_223] : memref<16384xf32, #tpu.memory_space<hbm>> -> memref<256xf32, #tpu.memory_space<hbm>>
    %dma_wait3A_881 = tpu.memref_slice %arg7[%add3A_223] : memref<16384xf32, #tpu.memory_space<hbm>> -> memref<256xf32, #tpu.memory_space<hbm>>
    %dma_wait3A_882 = arith.constant 0 : i32
    %dma_wait3A_883 = tpu.memref_slice %arg12[%dma_wait3A_882] : memref<1024xf32, #tpu.memory_space<vmem>> -> memref<256xf32, #tpu.memory_space<vmem>>
    tpu.wait_dma2 semaphore(%arg15 : memref<!tpu.dma_semaphore, #tpu.memory_space<semaphore_mem>>) src(%dma_wait3A_883 : memref<256xf32, #tpu.memory_space<vmem>>) dst(%dma_wait3A_881 : memref<256xf32, #tpu.memory_space<hbm>>)
    %dma_wait3A_884 = arith.constant 256 : i32
    %dma_wait3A_885 = tpu.memref_slice %arg12[%dma_wait3A_884] : memref<1024xf32, #tpu.memory_space<vmem>> -> memref<256xf32, #tpu.memory_space<vmem>>
    %dma_wait3A_886 = tpu.memref_slice %arg7[%add3A_439] : memref<16384xf32, #tpu.memory_space<hbm>> -> memref<256xf32, #tpu.memory_space<hbm>>
    %dma_wait3A_887 = tpu.memref_slice %arg7[%add3A_439] : memref<16384xf32, #tpu.memory_space<hbm>> -> memref<256xf32, #tpu.memory_space<hbm>>
    %dma_wait3A_888 = arith.constant 256 : i32
    %dma_wait3A_889 = tpu.memref_slice %arg12[%dma_wait3A_888] : memref<1024xf32, #tpu.memory_space<vmem>> -> memref<256xf32, #tpu.memory_space<vmem>>
    tpu.wait_dma2 semaphore(%arg15 : memref<!tpu.dma_semaphore, #tpu.memory_space<semaphore_mem>>) src(%dma_wait3A_889 : memref<256xf32, #tpu.memory_space<vmem>>) dst(%dma_wait3A_887 : memref<256xf32, #tpu.memory_space<hbm>>)
    %dma_wait3A_890 = arith.constant 512 : i32
    %dma_wait3A_891 = tpu.memref_slice %arg12[%dma_wait3A_890] : memref<1024xf32, #tpu.memory_space<vmem>> -> memref<256xf32, #tpu.memory_space<vmem>>
    %dma_wait3A_892 = tpu.memref_slice %arg7[%add3A_655] : memref<16384xf32, #tpu.memory_space<hbm>> -> memref<256xf32, #tpu.memory_space<hbm>>
    %dma_wait3A_893 = tpu.memref_slice %arg7[%add3A_655] : memref<16384xf32, #tpu.memory_space<hbm>> -> memref<256xf32, #tpu.memory_space<hbm>>
    %dma_wait3A_894 = arith.constant 512 : i32
    %dma_wait3A_895 = tpu.memref_slice %arg12[%dma_wait3A_894] : memref<1024xf32, #tpu.memory_space<vmem>> -> memref<256xf32, #tpu.memory_space<vmem>>
    tpu.wait_dma2 semaphore(%arg15 : memref<!tpu.dma_semaphore, #tpu.memory_space<semaphore_mem>>) src(%dma_wait3A_895 : memref<256xf32, #tpu.memory_space<vmem>>) dst(%dma_wait3A_893 : memref<256xf32, #tpu.memory_space<hbm>>)
    %dma_wait3A_896 = arith.constant 768 : i32
    %dma_wait3A_897 = tpu.memref_slice %arg12[%dma_wait3A_896] : memref<1024xf32, #tpu.memory_space<vmem>> -> memref<256xf32, #tpu.memory_space<vmem>>
    %dma_wait3A_898 = tpu.memref_slice %arg7[%add3A_871] : memref<16384xf32, #tpu.memory_space<hbm>> -> memref<256xf32, #tpu.memory_space<hbm>>
    %dma_wait3A_899 = tpu.memref_slice %arg7[%add3A_871] : memref<16384xf32, #tpu.memory_space<hbm>> -> memref<256xf32, #tpu.memory_space<hbm>>
    %dma_wait3A_900 = arith.constant 768 : i32
    %dma_wait3A_901 = tpu.memref_slice %arg12[%dma_wait3A_900] : memref<1024xf32, #tpu.memory_space<vmem>> -> memref<256xf32, #tpu.memory_space<vmem>>
    tpu.wait_dma2 semaphore(%arg15 : memref<!tpu.dma_semaphore, #tpu.memory_space<semaphore_mem>>) src(%dma_wait3A_901 : memref<256xf32, #tpu.memory_space<vmem>>) dst(%dma_wait3A_899 : memref<256xf32, #tpu.memory_space<hbm>>)
    return
  }
}

</mosaic_0001>

<sc_bundles>
// kernel: kernel.3.cloned.1.call-start
scs
__scs_entry_jumppad:
0x0: {  	(pc) =	sbr.rel $0x88, $3  }
0x1: {  	(tag) =	ssettag $0x0;
	lr =	simm.s32 $0x1  }
0x2: {  	[smem:$0x3F9B] =	sst lr;
	_ =	strace $0xD0000000  }
0x3: {  	_ = 	snop  }
0x4: {  	_ = 	snop  }
0x5: {  	_ = 	snop  }
0x6: {  	_ = 	snop  }
0x7: {  	_ = 	snop  }
__scs_overlays_trampoline_lowered:
0x8: {  	[smem:$0x3FAA] =	sst s0  }
0x9: {  	[smem:$0x3FAB] =	sst s1  }
0xa: {  	[smem:$0x3FAC] =	sst s2  }
0xb: {  	[smem:$0x3FAD] =	sst s3  }
0xc: {  	[smem:$0x3FAE] =	sst s4  }
0xd: {  	[smem:$0x3FAF] =	sst s5  }
0xe: {  	[smem:$0x3FB0] =	sst s6  }
0xf: {  	[smem:$0x3FB1] =	sst s7  }
0x10: {  	[smem:$0x3FB2] =	sst s8  }
0x11: {  	[smem:$0x3FB3] =	sst s9;
	s0 =	simm.s32 @!p0 $0x0  }
0x12: {  	s1 =	sld [smem:$0x3F99];
	s0 =	simm.s32 @p0 $0x1  }
0x13: {  	[smem:$0x3FB4] =	sst s0;
	s0 =	simm.s32 @!p1 $0x0  }
0x14: {  	s2 =	sld [smem:$0x3F98];
	s0 =	simm.s32 @p1 $0x1  }
0x15: {  	[smem:$0x3FB5] =	sst s0;
	s0 =	simm.s32 @!p2 $0x0  }
0x16: {  	s3 =	sld [smem:$0x3FDB];
	s0 =	simm.s32 @p2 $0x1  }
0x17: {  	s4 =	simm.s32 $0x1BF5;
	[smem:$0x3FB7] =	sst s0  }
0x18: {  	s0 =	sld [smem:$0x3F9A];
	_ =	swait.ge [sflag:s4], $0x0  }
0x19: {  	s7 =	sld [smem:$0x3F9B]  }
0x1a: {  	s8 =	sadd.s32 $0xFFFFE003, lr  }
0x1b: {  	s9 =	sadd.s32 $0xFFFFFEF7, lr;
	s5 =	simm.s32 $0xFFFFFFFF;
	p2 =	slt.u32 s8, $0xFFFFF086  }
0x1c: {  	p1 =	slt.u32 s9, $0xF7A;
	s5 =	simm.s32 @!p2 $0x0  }
0x1d: {  	s5 =	simm.s32 @p1 $0x1;
	p0 =	seq.s32 s7, s2  }
0x1e: {  	s7 =	smul.u32 @!p0 $0xF7A, s2;
	p2 =	seq.s32 @!p0 s5, $0x0  }
0x1f: {  	s9 =	smul.u32 $0xF7A, s1;
	s8 =	simm.s32 @!p0 $0x1BF5;
	p2 =	por !p2, p0  }
0x20: {  	[sflag:s8] =	ssyncset.s32 @!p0 $0xFFFFF086;
	s6 =	sadd.s32 @!p0 s3, s7;
	s7 =	simm.s32 @!p0 $0x108  }
0x21: {  	s3 =	sadd.s32 s3, s9;
	s6 =	sadd.s32 @!p0 $0x88, s6;
	s7 =	simm.s32 @p2 $0x1082  }
0x22: {  	[simem:s7], [sflag:s8] =	dma.local @!p0 [hbm:s6], $0xF7A  }
0x23: {  	s9 =	sor.u32 $0xD0000000, s2;
	s6 =	simm.s32 $0x108;
	_ =	swait.ge @!p0 [sflag:s8], $0x0  }
0x24: {  	s3 =	sadd.s32 $0x88, s3;
	s6 =	simm.s32 @!p1 $0x1082;
	[sflag:s4] =	ssyncset.s32 $0xFFFFF086  }
0x25: {  	[simem:s6], [sflag:s4] =	dma.local [hbm:s3], $0xF7A  }
0x26: {  	[smem:$0x3F9B] =	sst s1;
	(tag) =	ssettag s2;
	_ =	strace s9  }
0x27: {  	s1 =	sld [smem:$0x3FAB]  }
0x28: {  	s2 =	sld [smem:$0x3FAC]  }
0x29: {  	s4 =	sld [smem:$0x3FAE]  }
0x2a: {  	p0 =	seq.s32 s5, $0x0;
	s5 =	sld [smem:$0x3FAF]  }
0x2b: {  	s6 =	sld [smem:$0x3FB0]  }
0x2c: {  	s7 =	sld [smem:$0x3FB1]  }
0x2d: {  	s3 =	simm.s32 $0x108;
	s8 =	sld [smem:$0x3FB2]  }
0x2e: {  	s3 =	simm.s32 @!p0 $0x1082;
	s9 =	sld [smem:$0x3FB3]  }
0x2f: {  	lr =	sadd.s32 s0, s3;
	s0 =	sld [smem:$0x3FAA]  }
0x30: {  	s3 =	sld [smem:$0x3FAD]  }
0x31: {  	[smem:$0x3FB6] =	sst s10  }
0x32: {  	s10 =	sld [smem:$0x3FB4];
	_ =	sdelay $0x3  }
0x33: {  	p0 =	seq.s32 s10, $0x1;
	s10 =	sld [smem:$0x3FB6];
	_ =	sdelay $0x3  }
0x34: {  	[smem:$0x3FB6] =	sst s10  }
0x35: {  	s10 =	sld [smem:$0x3FB5];
	_ =	sdelay $0x3  }
0x36: {  	p1 =	seq.s32 s10, $0x1;
	s10 =	sld [smem:$0x3FB6];
	_ =	sdelay $0x3  }
0x37: {  	[smem:$0x3FB6] =	sst s10  }
0x38: {  	s10 =	sld [smem:$0x3FB7]  }
0x39: {  	_ = 	snop;
	(pc) =	sbr.ind lr, $3  }
0x3a: {  	_ = 	snop  }
0x3b: {  	_ = 	snop  }
0x3c: {  	p2 =	seq.s32 s10, $0x1;
	s10 =	sld [smem:$0x3FB6]  }
0x3d: {  	_ =	shalt  }
0x3e: {  	_ =	shalt  }
0x3f: {  	_ =	shalt  }
0x40: {  	_ =	shalt  }
0x41: {  	_ =	shalt  }
0x42: {  	_ =	shalt  }
0x43: {  	_ =	shalt  }
0x44: {  	_ =	shalt  }
0x45: {  	_ =	shalt  }
0x46: {  	_ =	shalt  }
0x47: {  	_ =	shalt  }
0x48: {  	_ =	shalt  }
0x49: {  	_ =	shalt  }
0x4a: {  	_ =	shalt  }
0x4b: {  	_ =	shalt  }
0x4c: {  	_ =	shalt  }
0x4d: {  	_ =	shalt  }
0x4e: {  	_ =	shalt  }
0x4f: {  	_ =	shalt  }
0x50: {  	_ =	shalt  }
0x51: {  	_ =	shalt  }
0x52: {  	_ =	shalt  }
0x53: {  	_ =	shalt  }
0x54: {  	_ =	shalt  }
0x55: {  	_ =	shalt  }
0x56: {  	_ =	shalt  }
0x57: {  	_ =	shalt  }
0x58: {  	_ =	shalt  }
0x59: {  	_ =	shalt  }
0x5a: {  	_ =	shalt  }
0x5b: {  	_ =	shalt  }
0x5c: {  	_ =	shalt  }
0x5d: {  	_ =	shalt  }
0x5e: {  	_ =	shalt  }
0x5f: {  	_ =	shalt  }
0x60: {  	_ =	shalt  }
0x61: {  	_ =	shalt  }
0x62: {  	_ =	shalt  }
0x63: {  	_ =	shalt  }
0x64: {  	_ =	shalt  }
0x65: {  	_ =	shalt  }
0x66: {  	_ =	shalt  }
0x67: {  	_ =	shalt  }
0x68: {  	_ =	shalt  }
0x69: {  	_ =	shalt  }
0x6a: {  	_ =	shalt  }
0x6b: {  	_ =	shalt  }
0x6c: {  	_ =	shalt  }
0x6d: {  	_ =	shalt  }
0x6e: {  	_ =	shalt  }
0x6f: {  	_ =	shalt  }
0x70: {  	_ =	shalt  }
0x71: {  	_ =	shalt  }
0x72: {  	_ =	shalt  }
0x73: {  	_ =	shalt  }
0x74: {  	_ =	shalt  }
0x75: {  	_ =	shalt  }
0x76: {  	_ =	shalt  }
0x77: {  	_ =	shalt  }
0x78: {  	_ =	shalt  }
0x79: {  	_ =	shalt  }
0x7a: {  	_ =	shalt  }
0x7b: {  	_ =	shalt  }
0x7c: {  	_ =	shalt  }
0x7d: {  	_ =	shalt  }
0x7e: {  	_ =	shalt  }
0x7f: {  	_ =	shalt  }
0x80: {  	_ =	shalt  }
0x81: {  	_ =	shalt  }
0x82: {  	_ =	shalt  }
0x83: {  	_ =	shalt  }
0x84: {  	_ =	shalt  }
0x85: {  	_ =	shalt  }
0x86: {  	_ =	shalt  }
0x87: {  	_ =	shalt  }
.Lfunc_end0:
.L_simem_size_0:
called_computation_lowered:
.L_overlay_start_0:
0x88: {  	s0 =	sld [smem:$0x3FD9]  }
0x89: {  	s1 =	sld [smem:$0x3FFE];
	_ =	sdelay $0x3  }
0x8a: {  	s0 =	sadd.s32 s1, s0  }
0x8b: {  	[smem:$0x3FC2] =	sst s0  }
0x8c: {  	_ = 	snop  }
0x8d: {  	s0 =	sld [smem:$0x3FC9]  }
0x8e: {  	s16 =	sld [smem:$0x3FC8]  }
0x8f: {  	s2 =	sld [smem:$0x3FC7]  }
0x90: {  	s3 =	sld [smem:$0x3FC6]  }
0x91: {  	s4 =	sld [smem:$0x3FD0];
	(tm) =	ssettm $0x1  }
0x92: {  	s5 =	sld [smem:$0x3FFB];
	_ =	sdelay $0x3  }
0x93: {  	_ =	strace s5  }
0x94: {  	s5 =	sld [smem:$0x3FFC];
	_ =	sdelay $0x3  }
0x95: {  	_ =	strace s5  }
0x96: {  	s5 =	sld [smem:$0x3FFD];
	_ =	sdelay $0x3  }
0x97: {  	_ =	strace s5  }
0x98: {  	_ =	strace $0x8FFFFFFF  }
0x99: {  	s17 =	sld [smem:$0x3FDB];
	_ =	sdelay $0x1  }
0x9a: {  	s6 =	simm.s32 $_scs_section_size  }
0x9b: {  	s7 =	simm.s32 $_size__tile_overlayer_lowered;
	s8 =	simm.s32 $_tile_overlayer_lowered  }
0x9c: {  	s20 =	simm.s32 $0x1BFF;
	s19 =	sshll.u32 s8, $0x1;
	s5 =	sadd.s32 s6, s17  }
0x9d: {  	s9 =	simm.s32 $0x0;
	s18 =	sshll.u32 s7, $0x1;
	s7 =	sadd.s32 s19, s5  }
0x9e: {  	[timem:s9], [sflag:s20] =	dma.local [hbm:s7], s18  }
0x9f: {  	_ =	swait.ge [sflag:s20], s18  }
0xa0: {  	s6 =	ssub.s32 $0x0, s18;
	[sflag:s20] =	ssyncset.done $0x0  }
0xa1: {  	[sflag:s20] =	ssyncadd.s32 s6;
	_ =	sdelay $0x1  }
0xa2: {  	s21 =	simm.s32 $0x1B8B  }
0xa3: {  	_ =	swait.ge [sflag:s21], $0x1  }
0xa4: {  	[sflag:s21] =	ssyncset.done $0x0  }
0xa5: {  	s23 =	simm.s32 $0x1B8E;
	s22 =	sld [smem:$0x3FFE];
	[sflag:s21] =	ssyncadd.s32 $0xFFFFFFFF  }
0xa6: {  	s24 =	simm.s32 $execute0_lowered;
	[smem:$0x3FD2] =	sst s23  }
0xa7: {  	s7 =	sshll.u32 s24, $0x1;
	_ =	strace $0x80000046;
	[dreg:$0x1] =	wrdreg $0xFFFFFFFF  }
0xa8: {  	s25 =	simm.s32 $_size_execute0_lowered;
	s5 =	sadd.s32 s5, s7;
	[dreg:$0x0] =	wrdreg $0x0  }
0xa9: {  	s7 =	sshll.u32 s25, $0x1;
	[dreg:$0x2] =	wrdreg s5  }
0xaa: {  	[dreg:$0x3] =	wrdreg s7  }
0xab: {  	[dreg:$0x4] =	wrdreg $0xC0  }
0xac: {  	_ =	task [dreg:s9], $0x5FFFF  }
0xad: {  	[dreg:$0x1] =	wrdreg $0xFFFFFFFF  }
0xae: {  	[dreg:$0x0] =	wrdreg $0x60  }
0xaf: {  	[dreg:$0x2] =	wrdreg s3  }
0xb0: {  	[dreg:$0x3] =	wrdreg s0  }
0xb1: {  	[dreg:$0x4] =	wrdreg s16  }
0xb2: {  	[dreg:$0x5] =	wrdreg s2  }
0xb3: {  	[dreg:$0x6] =	wrdreg s22  }
0xb4: {  	[dreg:$0x7] =	wrdreg s4  }
0xb5: {  	[dreg:$0x8] =	wrdreg $0x9  }
0xb6: {  	_ =	task.clear_ibuf [dreg:s9], $0x9FFFF;
	_ =	strace $0x90000046  }
0xb7: {  	s26 =	simm.s32 $0x9;
	_ =	strace $0x80000048  }
0xb8: {  	_ =	swait.ge [sflag:s26], $0x1  }
0xb9: {  	[sflag:s26] =	ssyncadd.s32 $0xFFFFFFFF  }
0xba: {  	_ =	strace $0x90000048  }
0xbb: {  	_ =	sfence  }
0xbc: {  	s28 =	sld [smem:$0x0];
	_ =	sdelay $0x1  }
0xbd: {  	s29 =	srdreg.scid  }
0xbe: {  	s30 =	sshll.u32 s29, $0xD;
	s31 =	sshrl.u32 s29, $0x2  }
0xbf: {  	s1 =	sand.u32 $0x1, s29;
	s2 =	sand.u32 $0x4000, s30;
	s0 =	sadd.s32 s31, s28  }
0xc0: {  	s1 =	sor.u32 s2, s1;
	s0 =	sshll.u32 s0, $0x11  }
0xc1: {  	s0 =	sor.u32 s0, s1  }
0xc2: {  	s0 =	sadd.s32 $0x8F2B, s0  }
0xc3: {  	[sflag:s0] =	ssyncadd.remote.s32 $0x1  }
0xc4: {  	_ =	sfence.sel $0xFFFF  }
0xc5: {  	[dreg:$0x0] =	wrdreg $0xFFFFFFFF;
	(pc) =	sbr.abs _section_cstart, $3  }
0xc6: {  	[dreg:$0x1] =	wrdreg $0xFFFFFFFF  }
0xc7: {  	_ =	task.clear_ibuf [dreg:s9], $0x2FFFF;
	_ =	strace $0x9FFFFFFF  }
0xc8: {  	(tm) =	ssettm $0x7FFFFFFF  }
0xc9: {  	_ =	shalt  }
tec
execute0_lowered:
.L_overlay_start_1:
0x0: {  	(tag) =	ssettag $0x1  }
0x1: {  	s5 =	rddreg [dreg:$0x0]  }
0x2: {  	s6 =	rddreg [dreg:$0x1]  }
0x3: {  	s7 =	rddreg [dreg:$0x2]  }
0x4: {  	s8 =	rddreg [dreg:$0x3]  }
0x5: {  	s9 =	rddreg [dreg:$0x4]  }
0x6: {  	s3 =	rddreg [dreg:$0x5];
	s2 =	simm.s32 $0x0  }
0x7: {  	s1 =	stileid.u32;
	[smem:$0x7FF] =	sst s2  }
0x8: {  	s0 =	rddreg [dreg:$0x6];
	s4 =	sshll.u32 s1, $0x7;
	_ =	strace $0x80000047  }
0x9: {  	[tilespmem:s2], [sflag:$0x1] =	stream.linear.gather [hbm4b:s5+s2], $0x400, $0x38;
	[tilespmem:$0x1480] =	vst v63  }
0xa: {  	s16 =	simm.s32 $0x400;
	s15 =	sadd.s32 s6, s4  }
0xb: {  	[tilespmem:s16], [sflag:$0x1] =	stream.linear.gather [hbm4b:s15+s2], $0x400, $0x38;
	[tilespmem:$0x1480] =	vst v63  }
0xc: {  	s18 =	simm.s32 $0x800;
	s17 =	sadd.s32 s7, s4  }
0xd: {  	[tilespmem:s18], [sflag:$0x1] =	stream.linear.gather [hbm4b:s17+s2], $0x400, $0x38;
	[tilespmem:$0x1480] =	vst v63  }
0xe: {  	s20 =	simm.s32 $0xC00;
	s19 =	sadd.s32 s8, s4  }
0xf: {  	[tilespmem:s20], [sflag:$0x1] =	stream.linear.gather [hbm4b:s19+s2], $0x400, $0x38;
	[tilespmem:$0x1480] =	vst v63  }
0x10: {  	s22 =	simm.s32 $0x1400;
	s23 =	simm.s32 $0x1;
	s21 =	sadd.s32 $0x400, s9  }
0x11: {  	[tilespmem:s22], [sflag:$0x1] =	stream.linear.gather [hbm4b:s21+s2], $0x80, $0x38;
	[tilespmem:$0x1480] =	vst v63  }
0x12: {  	_ =	swait.ge [sflag:s23], $0x400  }
0x13: {  	[sflag:s23] =	ssyncset.done $0x0  }
0x14: {  	[sflag:s23] =	ssyncadd.s32 $0xFFFFFC00  }
0x15: {  	_ =	swait.ge [sflag:s23], $0x400  }
0x16: {  	[sflag:s23] =	ssyncset.done $0x0  }
0x17: {  	[sflag:s23] =	ssyncadd.s32 $0xFFFFFC00  }
0x18: {  	_ =	swait.ge [sflag:s23], $0x400  }
0x19: {  	[sflag:s23] =	ssyncset.done $0x0  }
0x1a: {  	[sflag:s23] =	ssyncadd.s32 $0xFFFFFC00  }
0x1b: {  	_ =	swait.ge [sflag:s23], $0x400  }
0x1c: {  	[sflag:s23] =	ssyncset.done $0x0  }
0x1d: {  	[sflag:s23] =	ssyncadd.s32 $0xFFFFFC00  }
0x1e: {  	_ =	swait.ge [sflag:s23], $0x80  }
0x1f: {  	[sflag:s23] =	ssyncset.done $0x0  }
0x20: {  	[sflag:s23] =	ssyncadd.s32 $0xFFFFFF80  }
0x21: {  	v2 =	vld [tilespmem:$0x400];
	_ =	sdelay $0x3  }
0x22: {  	v1 =	vld [tilespmem:$0x1400]  }
0x23: {  	v0 =	vld [tilespmem:$0x1410]  }
0x24: {  	v3 =	vld [tilespmem:$0x800]  }
0x25: {  	v4 =	vld [tilespmem:$0xC00]  }
0x26: {  	v2 =	vld.idx.msk [tilespmem:v2+s2+$0x0], $0xffff;
	_ =	sdelay $0x1  }
0x27: {  	v5 =	vld [tilespmem:$0x410]  }
0x28: {  	v3 =	vmul.f32 v3, v1;
	_ =	sdelay $0x1  }
0x29: {  	v34 =	vmul.f32 v4, v0;
	v2 =	vadd.f32 v3, v2;
	_ =	sdelay $0x1  }
0x2a: {  	v2 =	vadd.f32 v34, v2  }
0x2b: {  	v35 =	vld [tilespmem:$0x810]  }
0x2c: {  	v37 =	vld [tilespmem:$0xC10];
	[tilespmem:$0x1000] =	vst v2  }
0x2d: {  	v36 =	vld.idx.msk [tilespmem:v5+s2+$0x0], $0xffff;
	_ =	sdelay $0x1  }
0x2e: {  	v38 =	vld [tilespmem:$0x420]  }
0x2f: {  	v2 =	vmul.f32 v35, v1;
	_ =	sdelay $0x1  }
0x30: {  	v39 =	vmul.f32 v37, v0;
	v2 =	vadd.f32 v2, v36;
	_ =	sdelay $0x1  }
0x31: {  	v2 =	vadd.f32 v39, v2  }
0x32: {  	v40 =	vld [tilespmem:$0x820]  }
0x33: {  	v42 =	vld [tilespmem:$0xC20];
	[tilespmem:$0x1010] =	vst v2  }
0x34: {  	v41 =	vld.idx.msk [tilespmem:v38+s2+$0x0], $0xffff;
	_ =	sdelay $0x1  }
0x35: {  	v43 =	vld [tilespmem:$0x430]  }
0x36: {  	v2 =	vmul.f32 v40, v1;
	_ =	sdelay $0x1  }
0x37: {  	v44 =	vmul.f32 v42, v0;
	v2 =	vadd.f32 v2, v41;
	_ =	sdelay $0x1  }
0x38: {  	v2 =	vadd.f32 v44, v2  }
0x39: {  	v45 =	vld [tilespmem:$0x830]  }
0x3a: {  	v47 =	vld [tilespmem:$0xC30];
	[tilespmem:$0x1020] =	vst v2  }
0x3b: {  	v46 =	vld.idx.msk [tilespmem:v43+s2+$0x0], $0xffff;
	_ =	sdelay $0x1  }
0x3c: {  	v48 =	vld [tilespmem:$0x440]  }
0x3d: {  	v2 =	vmul.f32 v45, v1;
	_ =	sdelay $0x1  }
0x3e: {  	v49 =	vmul.f32 v47, v0;
	v2 =	vadd.f32 v2, v46;
	_ =	sdelay $0x1  }
0x3f: {  	v2 =	vadd.f32 v49, v2  }
0x40: {  	v50 =	vld [tilespmem:$0x840]  }
0x41: {  	v52 =	vld [tilespmem:$0xC40];
	[tilespmem:$0x1030] =	vst v2  }
0x42: {  	v51 =	vld.idx.msk [tilespmem:v48+s2+$0x0], $0xffff;
	_ =	sdelay $0x1  }
0x43: {  	v53 =	vld [tilespmem:$0x450]  }
0x44: {  	v2 =	vmul.f32 v50, v1;
	_ =	sdelay $0x1  }
0x45: {  	v54 =	vmul.f32 v52, v0;
	v2 =	vadd.f32 v2, v51;
	_ =	sdelay $0x1  }
0x46: {  	v2 =	vadd.f32 v54, v2  }
0x47: {  	v55 =	vld [tilespmem:$0x850]  }
0x48: {  	v57 =	vld [tilespmem:$0xC50];
	[tilespmem:$0x1040] =	vst v2  }
0x49: {  	v56 =	vld.idx.msk [tilespmem:v53+s2+$0x0], $0xffff;
	_ =	sdelay $0x1  }
0x4a: {  	v58 =	vld [tilespmem:$0x460]  }
0x4b: {  	v2 =	vmul.f32 v55, v1;
	_ =	sdelay $0x1  }
0x4c: {  	v59 =	vmul.f32 v57, v0;
	v2 =	vadd.f32 v2, v56;
	_ =	sdelay $0x1  }
0x4d: {  	v2 =	vadd.f32 v59, v2  }
0x4e: {  	v60 =	vld [tilespmem:$0x860]  }
0x4f: {  	v62 =	vld [tilespmem:$0xC60];
	[tilespmem:$0x1050] =	vst v2  }
0x50: {  	v61 =	vld.idx.msk [tilespmem:v58+s2+$0x0], $0xffff;
	_ =	sdelay $0x1  }
0x51: {  	v63 =	vld [tilespmem:$0x470]  }
0x52: {  	v2 =	vmul.f32 v60, v1;
	_ =	sdelay $0x1  }
0x53: {  	v8 =	vmul.f32 v62, v0;
	v2 =	vadd.f32 v2, v61;
	_ =	sdelay $0x1  }
0x54: {  	v2 =	vadd.f32 v8, v2  }
0x55: {  	v9 =	vld [tilespmem:$0x870]  }
0x56: {  	v11 =	vld [tilespmem:$0xC70];
	[tilespmem:$0x1060] =	vst v2  }
0x57: {  	v10 =	vld.idx.msk [tilespmem:v63+s2+$0x0], $0xffff;
	_ =	sdelay $0x1  }
0x58: {  	v12 =	vld [tilespmem:$0x480]  }
0x59: {  	v2 =	vmul.f32 v9, v1;
	_ =	sdelay $0x1  }
0x5a: {  	v13 =	vmul.f32 v11, v0;
	v2 =	vadd.f32 v2, v10;
	_ =	sdelay $0x1  }
0x5b: {  	v2 =	vadd.f32 v13, v2  }
0x5c: {  	v14 =	vld [tilespmem:$0x880]  }
0x5d: {  	v16 =	vld [tilespmem:$0xC80];
	[tilespmem:$0x1070] =	vst v2  }
0x5e: {  	v15 =	vld.idx.msk [tilespmem:v12+s2+$0x0], $0xffff;
	_ =	sdelay $0x1  }
0x5f: {  	v17 =	vld [tilespmem:$0x490]  }
0x60: {  	v2 =	vmul.f32 v14, v1;
	_ =	sdelay $0x1  }
0x61: {  	v18 =	vmul.f32 v16, v0;
	v2 =	vadd.f32 v2, v15;
	_ =	sdelay $0x1  }
0x62: {  	v2 =	vadd.f32 v18, v2  }
0x63: {  	v19 =	vld [tilespmem:$0x890]  }
0x64: {  	v21 =	vld [tilespmem:$0xC90];
	[tilespmem:$0x1080] =	vst v2  }
0x65: {  	v20 =	vld.idx.msk [tilespmem:v17+s2+$0x0], $0xffff;
	_ =	sdelay $0x1  }
0x66: {  	v22 =	vld [tilespmem:$0x4A0]  }
0x67: {  	v2 =	vmul.f32 v19, v1;
	_ =	sdelay $0x1  }
0x68: {  	v23 =	vmul.f32 v21, v0;
	v2 =	vadd.f32 v2, v20;
	_ =	sdelay $0x1  }
0x69: {  	v2 =	vadd.f32 v23, v2  }
0x6a: {  	v24 =	vld [tilespmem:$0x8A0]  }
0x6b: {  	v26 =	vld [tilespmem:$0xCA0];
	[tilespmem:$0x1090] =	vst v2  }
0x6c: {  	v25 =	vld.idx.msk [tilespmem:v22+s2+$0x0], $0xffff;
	_ =	sdelay $0x1  }
0x6d: {  	v27 =	vld [tilespmem:$0x4B0]  }
0x6e: {  	v2 =	vmul.f32 v24, v1;
	_ =	sdelay $0x1  }
0x6f: {  	v28 =	vmul.f32 v26, v0;
	v2 =	vadd.f32 v2, v25;
	_ =	sdelay $0x1  }
0x70: {  	v2 =	vadd.f32 v28, v2  }
0x71: {  	v29 =	vld [tilespmem:$0x8B0]  }
0x72: {  	v31 =	vld [tilespmem:$0xCB0];
	[tilespmem:$0x10A0] =	vst v2  }
0x73: {  	v30 =	vld.idx.msk [tilespmem:v27+s2+$0x0], $0xffff;
	_ =	sdelay $0x1  }
0x74: {  	v32 =	vld [tilespmem:$0x4C0]  }
0x75: {  	v2 =	vmul.f32 v29, v1;
	_ =	sdelay $0x1  }
0x76: {  	v33 =	vmul.f32 v31, v0;
	v2 =	vadd.f32 v2, v30;
	_ =	sdelay $0x1  }
0x77: {  	v2 =	vadd.f32 v33, v2  }
0x78: {  	v34 =	vld [tilespmem:$0x8C0]  }
0x79: {  	v36 =	vld [tilespmem:$0xCC0];
	[tilespmem:$0x10B0] =	vst v2  }
0x7a: {  	v35 =	vld.idx.msk [tilespmem:v32+s2+$0x0], $0xffff;
	_ =	sdelay $0x1  }
0x7b: {  	v37 =	vld [tilespmem:$0x4D0]  }
0x7c: {  	v2 =	vmul.f32 v34, v1;
	_ =	sdelay $0x1  }
0x7d: {  	v38 =	vmul.f32 v36, v0;
	v2 =	vadd.f32 v2, v35;
	_ =	sdelay $0x1  }
0x7e: {  	v2 =	vadd.f32 v38, v2  }
0x7f: {  	v39 =	vld [tilespmem:$0x8D0]  }
0x80: {  	v41 =	vld [tilespmem:$0xCD0];
	[tilespmem:$0x10C0] =	vst v2  }
0x81: {  	v40 =	vld.idx.msk [tilespmem:v37+s2+$0x0], $0xffff;
	_ =	sdelay $0x1  }
0x82: {  	v42 =	vld [tilespmem:$0x4E0]  }
0x83: {  	v2 =	vmul.f32 v39, v1;
	_ =	sdelay $0x1  }
0x84: {  	v43 =	vmul.f32 v41, v0;
	v2 =	vadd.f32 v2, v40;
	_ =	sdelay $0x1  }
0x85: {  	v2 =	vadd.f32 v43, v2  }
0x86: {  	v44 =	vld [tilespmem:$0x8E0]  }
0x87: {  	v46 =	vld [tilespmem:$0xCE0];
	[tilespmem:$0x10D0] =	vst v2  }
0x88: {  	v45 =	vld.idx.msk [tilespmem:v42+s2+$0x0], $0xffff;
	_ =	sdelay $0x1  }
0x89: {  	v47 =	vld [tilespmem:$0x4F0]  }
0x8a: {  	v2 =	vmul.f32 v44, v1;
	_ =	sdelay $0x1  }
0x8b: {  	v48 =	vmul.f32 v46, v0;
	v2 =	vadd.f32 v2, v45;
	_ =	sdelay $0x1  }
0x8c: {  	v2 =	vadd.f32 v48, v2  }
0x8d: {  	v49 =	vld [tilespmem:$0x8F0]  }
0x8e: {  	v51 =	vld [tilespmem:$0xCF0];
	[tilespmem:$0x10E0] =	vst v2  }
0x8f: {  	v50 =	vld.idx.msk [tilespmem:v47+s2+$0x0], $0xffff;
	_ =	sdelay $0x2  }
0x90: {  	v2 =	vmul.f32 v49, v1;
	_ =	sdelay $0x1  }
0x91: {  	v52 =	vmul.f32 v51, v0;
	v2 =	vadd.f32 v2, v50;
	_ =	sdelay $0x1  }
0x92: {  	v2 =	vadd.f32 v52, v2;
	_ =	sdelay $0x1  }
0x93: {  	s24 =	simm.s32 $0x1000;
	s3 =	sadd.s32 s3, s4;
	[tilespmem:$0x10F0] =	vst v2  }
0x94: {  	[hbm4b:s3+s2] =	stream.linear.scatter [tilespmem:s24], [sflag:$0x2], $0x100, $0x38;
	[tilespmem:$0x1480] =	vst v63  }
0x95: {  	v53 =	vld [tilespmem:$0x500];
	_ =	sdelay $0x5  }
0x96: {  	v54 =	vld [tilespmem:$0x900]  }
0x97: {  	v55 =	vld [tilespmem:$0xD00]  }
0x98: {  	v2 =	vld.idx.msk [tilespmem:v53+s2+$0x0], $0xffff;
	_ =	sdelay $0x1  }
0x99: {  	v56 =	vld [tilespmem:$0x510]  }
0x9a: {  	v3 =	vmul.f32 v54, v1;
	_ =	sdelay $0x1  }
0x9b: {  	v57 =	vmul.f32 v55, v0;
	v2 =	vadd.f32 v3, v2;
	_ =	sdelay $0x1  }
0x9c: {  	v2 =	vadd.f32 v57, v2  }
0x9d: {  	v58 =	vld [tilespmem:$0x910]  }
0x9e: {  	v60 =	vld [tilespmem:$0xD10];
	[tilespmem:$0x1100] =	vst v2  }
0x9f: {  	v59 =	vld.idx.msk [tilespmem:v56+s2+$0x0], $0xffff;
	_ =	sdelay $0x1  }
0xa0: {  	v61 =	vld [tilespmem:$0x520]  }
0xa1: {  	v2 =	vmul.f32 v58, v1;
	_ =	sdelay $0x1  }
0xa2: {  	v62 =	vmul.f32 v60, v0;
	v2 =	vadd.f32 v2, v59;
	_ =	sdelay $0x1  }
0xa3: {  	v2 =	vadd.f32 v62, v2  }
0xa4: {  	v63 =	vld [tilespmem:$0x920]  }
0xa5: {  	v9 =	vld [tilespmem:$0xD20];
	[tilespmem:$0x1110] =	vst v2  }
0xa6: {  	v8 =	vld.idx.msk [tilespmem:v61+s2+$0x0], $0xffff;
	_ =	sdelay $0x1  }
0xa7: {  	v10 =	vld [tilespmem:$0x530]  }
0xa8: {  	v2 =	vmul.f32 v63, v1;
	_ =	sdelay $0x1  }
0xa9: {  	v11 =	vmul.f32 v9, v0;
	v2 =	vadd.f32 v2, v8;
	_ =	sdelay $0x1  }
0xaa: {  	v2 =	vadd.f32 v11, v2  }
0xab: {  	v12 =	vld [tilespmem:$0x930]  }
0xac: {  	v14 =	vld [tilespmem:$0xD30];
	[tilespmem:$0x1120] =	vst v2  }
0xad: {  	v13 =	vld.idx.msk [tilespmem:v10+s2+$0x0], $0xffff;
	_ =	sdelay $0x1  }
0xae: {  	v15 =	vld [tilespmem:$0x540]  }
0xaf: {  	v2 =	vmul.f32 v12, v1;
	_ =	sdelay $0x1  }
0xb0: {  	v16 =	vmul.f32 v14, v0;
	v2 =	vadd.f32 v2, v13;
	_ =	sdelay $0x1  }
0xb1: {  	v2 =	vadd.f32 v16, v2  }
0xb2: {  	v17 =	vld [tilespmem:$0x940]  }
0xb3: {  	v19 =	vld [tilespmem:$0xD40];
	[tilespmem:$0x1130] =	vst v2  }
0xb4: {  	v18 =	vld.idx.msk [tilespmem:v15+s2+$0x0], $0xffff;
	_ =	sdelay $0x1  }
0xb5: {  	v20 =	vld [tilespmem:$0x550]  }
0xb6: {  	v2 =	vmul.f32 v17, v1;
	_ =	sdelay $0x1  }
0xb7: {  	v21 =	vmul.f32 v19, v0;
	v2 =	vadd.f32 v2, v18;
	_ =	sdelay $0x1  }
0xb8: {  	v2 =	vadd.f32 v21, v2  }
0xb9: {  	v22 =	vld [tilespmem:$0x950]  }
0xba: {  	v24 =	vld [tilespmem:$0xD50];
	[tilespmem:$0x1140] =	vst v2  }
0xbb: {  	v23 =	vld.idx.msk [tilespmem:v20+s2+$0x0], $0xffff;
	_ =	sdelay $0x1  }
0xbc: {  	v25 =	vld [tilespmem:$0x560]  }
0xbd: {  	v2 =	vmul.f32 v22, v1;
	_ =	sdelay $0x1  }
0xbe: {  	v26 =	vmul.f32 v24, v0;
	v2 =	vadd.f32 v2, v23;
	_ =	sdelay $0x1  }
0xbf: {  	v2 =	vadd.f32 v26, v2  }
0xc0: {  	v27 =	vld [tilespmem:$0x960]  }
0xc1: {  	v29 =	vld [tilespmem:$0xD60];
	[tilespmem:$0x1150] =	vst v2  }
0xc2: {  	v28 =	vld.idx.msk [tilespmem:v25+s2+$0x0], $0xffff;
	_ =	sdelay $0x1  }
0xc3: {  	v30 =	vld [tilespmem:$0x570]  }
0xc4: {  	v2 =	vmul.f32 v27, v1;
	_ =	sdelay $0x1  }
0xc5: {  	v31 =	vmul.f32 v29, v0;
	v2 =	vadd.f32 v2, v28;
	_ =	sdelay $0x1  }
0xc6: {  	v2 =	vadd.f32 v31, v2  }
0xc7: {  	v32 =	vld [tilespmem:$0x970]  }
0xc8: {  	v34 =	vld [tilespmem:$0xD70];
	[tilespmem:$0x1160] =	vst v2  }
0xc9: {  	v33 =	vld.idx.msk [tilespmem:v30+s2+$0x0], $0xffff;
	_ =	sdelay $0x1  }
0xca: {  	v35 =	vld [tilespmem:$0x580]  }
0xcb: {  	v2 =	vmul.f32 v32, v1;
	_ =	sdelay $0x1  }
0xcc: {  	v36 =	vmul.f32 v34, v0;
	v2 =	vadd.f32 v2, v33;
	_ =	sdelay $0x1  }
0xcd: {  	v2 =	vadd.f32 v36, v2  }
0xce: {  	v37 =	vld [tilespmem:$0x980]  }
0xcf: {  	v39 =	vld [tilespmem:$0xD80];
	[tilespmem:$0x1170] =	vst v2  }
0xd0: {  	v38 =	vld.idx.msk [tilespmem:v35+s2+$0x0], $0xffff;
	_ =	sdelay $0x1  }
0xd1: {  	v40 =	vld [tilespmem:$0x590]  }
0xd2: {  	v2 =	vmul.f32 v37, v1;
	_ =	sdelay $0x1  }
0xd3: {  	v41 =	vmul.f32 v39, v0;
	v2 =	vadd.f32 v2, v38;
	_ =	sdelay $0x1  }
0xd4: {  	v2 =	vadd.f32 v41, v2  }
0xd5: {  	v42 =	vld [tilespmem:$0x990]  }
0xd6: {  	v44 =	vld [tilespmem:$0xD90];
	[tilespmem:$0x1180] =	vst v2  }
0xd7: {  	v43 =	vld.idx.msk [tilespmem:v40+s2+$0x0], $0xffff;
	_ =	sdelay $0x1  }
0xd8: {  	v45 =	vld [tilespmem:$0x5A0]  }
0xd9: {  	v2 =	vmul.f32 v42, v1;
	_ =	sdelay $0x1  }
0xda: {  	v46 =	vmul.f32 v44, v0;
	v2 =	vadd.f32 v2, v43;
	_ =	sdelay $0x1  }
0xdb: {  	v2 =	vadd.f32 v46, v2  }
0xdc: {  	v47 =	vld [tilespmem:$0x9A0]  }
0xdd: {  	v49 =	vld [tilespmem:$0xDA0];
	[tilespmem:$0x1190] =	vst v2  }
0xde: {  	v48 =	vld.idx.msk [tilespmem:v45+s2+$0x0], $0xffff;
	_ =	sdelay $0x1  }
0xdf: {  	v50 =	vld [tilespmem:$0x5B0]  }
0xe0: {  	v2 =	vmul.f32 v47, v1;
	_ =	sdelay $0x1  }
0xe1: {  	v51 =	vmul.f32 v49, v0;
	v2 =	vadd.f32 v2, v48;
	_ =	sdelay $0x1  }
0xe2: {  	v2 =	vadd.f32 v51, v2  }
0xe3: {  	v52 =	vld [tilespmem:$0x9B0]  }
0xe4: {  	v54 =	vld [tilespmem:$0xDB0];
	[tilespmem:$0x11A0] =	vst v2  }
0xe5: {  	v53 =	vld.idx.msk [tilespmem:v50+s2+$0x0], $0xffff;
	_ =	sdelay $0x1  }
0xe6: {  	v55 =	vld [tilespmem:$0x5C0]  }
0xe7: {  	v2 =	vmul.f32 v52, v1;
	_ =	sdelay $0x1  }
0xe8: {  	v56 =	vmul.f32 v54, v0;
	v2 =	vadd.f32 v2, v53;
	_ =	sdelay $0x1  }
0xe9: {  	v2 =	vadd.f32 v56, v2  }
0xea: {  	v57 =	vld [tilespmem:$0x9C0]  }
0xeb: {  	v59 =	vld [tilespmem:$0xDC0];
	[tilespmem:$0x11B0] =	vst v2  }
0xec: {  	v58 =	vld.idx.msk [tilespmem:v55+s2+$0x0], $0xffff;
	_ =	sdelay $0x1  }
0xed: {  	v60 =	vld [tilespmem:$0x5D0]  }
0xee: {  	v2 =	vmul.f32 v57, v1;
	_ =	sdelay $0x1  }
0xef: {  	v61 =	vmul.f32 v59, v0;
	v2 =	vadd.f32 v2, v58;
	_ =	sdelay $0x1  }
0xf0: {  	v2 =	vadd.f32 v61, v2  }
0xf1: {  	v62 =	vld [tilespmem:$0x9D0]  }
0xf2: {  	v8 =	vld [tilespmem:$0xDD0];
	[tilespmem:$0x11C0] =	vst v2  }
0xf3: {  	v63 =	vld.idx.msk [tilespmem:v60+s2+$0x0], $0xffff;
	_ =	sdelay $0x1  }
0xf4: {  	v9 =	vld [tilespmem:$0x5E0]  }
0xf5: {  	v2 =	vmul.f32 v62, v1;
	_ =	sdelay $0x1  }
0xf6: {  	v10 =	vmul.f32 v8, v0;
	v2 =	vadd.f32 v2, v63;
	_ =	sdelay $0x1  }
0xf7: {  	v2 =	vadd.f32 v10, v2  }
0xf8: {  	v11 =	vld [tilespmem:$0x9E0]  }
0xf9: {  	v13 =	vld [tilespmem:$0xDE0];
	[tilespmem:$0x11D0] =	vst v2  }
0xfa: {  	v12 =	vld.idx.msk [tilespmem:v9+s2+$0x0], $0xffff;
	_ =	sdelay $0x1  }
0xfb: {  	v14 =	vld [tilespmem:$0x5F0]  }
0xfc: {  	v2 =	vmul.f32 v11, v1;
	_ =	sdelay $0x1  }
0xfd: {  	v15 =	vmul.f32 v13, v0;
	v2 =	vadd.f32 v2, v12;
	_ =	sdelay $0x1  }
0xfe: {  	v2 =	vadd.f32 v15, v2  }
0xff: {  	v16 =	vld [tilespmem:$0x9F0]  }
0x100: {  	v18 =	vld [tilespmem:$0xDF0];
	[tilespmem:$0x11E0] =	vst v2  }
0x101: {  	v17 =	vld.idx.msk [tilespmem:v14+s2+$0x0], $0xffff;
	_ =	sdelay $0x2  }
0x102: {  	v2 =	vmul.f32 v16, v1;
	_ =	sdelay $0x1  }
0x103: {  	v19 =	vmul.f32 v18, v0;
	v2 =	vadd.f32 v2, v17;
	_ =	sdelay $0x1  }
0x104: {  	v2 =	vadd.f32 v19, v2;
	_ =	sdelay $0x1  }
0x105: {  	s26 =	simm.s32 $0x1100;
	s25 =	sadd.s32 $0x20, s3;
	[tilespmem:$0x11F0] =	vst v2  }
0x106: {  	[hbm4b:s25+s2] =	stream.linear.scatter [tilespmem:s26], [sflag:$0x2], $0x100, $0x38;
	[tilespmem:$0x1480] =	vst v63  }
0x107: {  	v20 =	vld [tilespmem:$0x600];
	_ =	sdelay $0x5  }
0x108: {  	v21 =	vld [tilespmem:$0xA00]  }
0x109: {  	v22 =	vld [tilespmem:$0xE00]  }
0x10a: {  	v2 =	vld.idx.msk [tilespmem:v20+s2+$0x0], $0xffff;
	_ =	sdelay $0x1  }
0x10b: {  	v23 =	vld [tilespmem:$0x610]  }
0x10c: {  	v3 =	vmul.f32 v21, v1;
	_ =	sdelay $0x1  }
0x10d: {  	v24 =	vmul.f32 v22, v0;
	v2 =	vadd.f32 v3, v2;
	_ =	sdelay $0x1  }
0x10e: {  	v2 =	vadd.f32 v24, v2  }
0x10f: {  	v25 =	vld [tilespmem:$0xA10]  }
0x110: {  	v27 =	vld [tilespmem:$0xE10];
	[tilespmem:$0x1200] =	vst v2  }
0x111: {  	v26 =	vld.idx.msk [tilespmem:v23+s2+$0x0], $0xffff;
	_ =	sdelay $0x1  }
0x112: {  	v28 =	vld [tilespmem:$0x620]  }
0x113: {  	v2 =	vmul.f32 v25, v1;
	_ =	sdelay $0x1  }
0x114: {  	v29 =	vmul.f32 v27, v0;
	v2 =	vadd.f32 v2, v26;
	_ =	sdelay $0x1  }
0x115: {  	v2 =	vadd.f32 v29, v2  }
0x116: {  	v30 =	vld [tilespmem:$0xA20]  }
0x117: {  	v32 =	vld [tilespmem:$0xE20];
	[tilespmem:$0x1210] =	vst v2  }
0x118: {  	v31 =	vld.idx.msk [tilespmem:v28+s2+$0x0], $0xffff;
	_ =	sdelay $0x1  }
0x119: {  	v33 =	vld [tilespmem:$0x630]  }
0x11a: {  	v2 =	vmul.f32 v30, v1;
	_ =	sdelay $0x1  }
0x11b: {  	v34 =	vmul.f32 v32, v0;
	v2 =	vadd.f32 v2, v31;
	_ =	sdelay $0x1  }
0x11c: {  	v2 =	vadd.f32 v34, v2  }
0x11d: {  	v35 =	vld [tilespmem:$0xA30]  }
0x11e: {  	v37 =	vld [tilespmem:$0xE30];
	[tilespmem:$0x1220] =	vst v2  }
0x11f: {  	v36 =	vld.idx.msk [tilespmem:v33+s2+$0x0], $0xffff;
	_ =	sdelay $0x1  }
0x120: {  	v38 =	vld [tilespmem:$0x640]  }
0x121: {  	v2 =	vmul.f32 v35, v1;
	_ =	sdelay $0x1  }
0x122: {  	v39 =	vmul.f32 v37, v0;
	v2 =	vadd.f32 v2, v36;
	_ =	sdelay $0x1  }
0x123: {  	v2 =	vadd.f32 v39, v2  }
0x124: {  	v40 =	vld [tilespmem:$0xA40]  }
0x125: {  	v42 =	vld [tilespmem:$0xE40];
	[tilespmem:$0x1230] =	vst v2  }
0x126: {  	v41 =	vld.idx.msk [tilespmem:v38+s2+$0x0], $0xffff;
	_ =	sdelay $0x1  }
0x127: {  	v43 =	vld [tilespmem:$0x650]  }
0x128: {  	v2 =	vmul.f32 v40, v1;
	_ =	sdelay $0x1  }
0x129: {  	v44 =	vmul.f32 v42, v0;
	v2 =	vadd.f32 v2, v41;
	_ =	sdelay $0x1  }
0x12a: {  	v2 =	vadd.f32 v44, v2  }
0x12b: {  	v45 =	vld [tilespmem:$0xA50]  }
0x12c: {  	v47 =	vld [tilespmem:$0xE50];
	[tilespmem:$0x1240] =	vst v2  }
0x12d: {  	v46 =	vld.idx.msk [tilespmem:v43+s2+$0x0], $0xffff;
	_ =	sdelay $0x1  }
0x12e: {  	v48 =	vld [tilespmem:$0x660]  }
0x12f: {  	v2 =	vmul.f32 v45, v1;
	_ =	sdelay $0x1  }
0x130: {  	v49 =	vmul.f32 v47, v0;
	v2 =	vadd.f32 v2, v46;
	_ =	sdelay $0x1  }
0x131: {  	v2 =	vadd.f32 v49, v2  }
0x132: {  	v50 =	vld [tilespmem:$0xA60]  }
0x133: {  	v52 =	vld [tilespmem:$0xE60];
	[tilespmem:$0x1250] =	vst v2  }
0x134: {  	v51 =	vld.idx.msk [tilespmem:v48+s2+$0x0], $0xffff;
	_ =	sdelay $0x1  }
0x135: {  	v53 =	vld [tilespmem:$0x670]  }
0x136: {  	v2 =	vmul.f32 v50, v1;
	_ =	sdelay $0x1  }
0x137: {  	v54 =	vmul.f32 v52, v0;
	v2 =	vadd.f32 v2, v51;
	_ =	sdelay $0x1  }
0x138: {  	v2 =	vadd.f32 v54, v2  }
0x139: {  	v55 =	vld [tilespmem:$0xA70]  }
0x13a: {  	v57 =	vld [tilespmem:$0xE70];
	[tilespmem:$0x1260] =	vst v2  }
0x13b: {  	v56 =	vld.idx.msk [tilespmem:v53+s2+$0x0], $0xffff;
	_ =	sdelay $0x1  }
0x13c: {  	v58 =	vld [tilespmem:$0x680]  }
0x13d: {  	v2 =	vmul.f32 v55, v1;
	_ =	sdelay $0x1  }
0x13e: {  	v59 =	vmul.f32 v57, v0;
	v2 =	vadd.f32 v2, v56;
	_ =	sdelay $0x1  }
0x13f: {  	v2 =	vadd.f32 v59, v2  }
0x140: {  	v60 =	vld [tilespmem:$0xA80]  }
0x141: {  	v62 =	vld [tilespmem:$0xE80];
	[tilespmem:$0x1270] =	vst v2  }
0x142: {  	v61 =	vld.idx.msk [tilespmem:v58+s2+$0x0], $0xffff;
	_ =	sdelay $0x1  }
0x143: {  	v63 =	vld [tilespmem:$0x690]  }
0x144: {  	v2 =	vmul.f32 v60, v1;
	_ =	sdelay $0x1  }
0x145: {  	v7 =	vmul.f32 v62, v0;
	v2 =	vadd.f32 v2, v61;
	_ =	sdelay $0x1  }
0x146: {  	v2 =	vadd.f32 v7, v2  }
0x147: {  	v8 =	vld [tilespmem:$0xA90]  }
0x148: {  	v10 =	vld [tilespmem:$0xE90];
	[tilespmem:$0x1280] =	vst v2  }
0x149: {  	v9 =	vld.idx.msk [tilespmem:v63+s2+$0x0], $0xffff;
	_ =	sdelay $0x1  }
0x14a: {  	v11 =	vld [tilespmem:$0x6A0]  }
0x14b: {  	v2 =	vmul.f32 v8, v1;
	_ =	sdelay $0x1  }
0x14c: {  	v12 =	vmul.f32 v10, v0;
	v2 =	vadd.f32 v2, v9;
	_ =	sdelay $0x1  }
0x14d: {  	v2 =	vadd.f32 v12, v2  }
0x14e: {  	v13 =	vld [tilespmem:$0xAA0]  }
0x14f: {  	v15 =	vld [tilespmem:$0xEA0];
	[tilespmem:$0x1290] =	vst v2  }
0x150: {  	v14 =	vld.idx.msk [tilespmem:v11+s2+$0x0], $0xffff;
	_ =	sdelay $0x1  }
0x151: {  	v16 =	vld [tilespmem:$0x6B0]  }
0x152: {  	v2 =	vmul.f32 v13, v1;
	_ =	sdelay $0x1  }
0x153: {  	v17 =	vmul.f32 v15, v0;
	v2 =	vadd.f32 v2, v14;
	_ =	sdelay $0x1  }
0x154: {  	v2 =	vadd.f32 v17, v2  }
0x155: {  	v18 =	vld [tilespmem:$0xAB0]  }
0x156: {  	v20 =	vld [tilespmem:$0xEB0];
	[tilespmem:$0x12A0] =	vst v2  }
0x157: {  	v19 =	vld.idx.msk [tilespmem:v16+s2+$0x0], $0xffff;
	_ =	sdelay $0x1  }
0x158: {  	v21 =	vld [tilespmem:$0x6C0]  }
0x159: {  	v2 =	vmul.f32 v18, v1;
	_ =	sdelay $0x1  }
0x15a: {  	v22 =	vmul.f32 v20, v0;
	v2 =	vadd.f32 v2, v19;
	_ =	sdelay $0x1  }
0x15b: {  	v2 =	vadd.f32 v22, v2  }
0x15c: {  	v23 =	vld [tilespmem:$0xAC0]  }
0x15d: {  	v25 =	vld [tilespmem:$0xEC0];
	[tilespmem:$0x12B0] =	vst v2  }
0x15e: {  	v24 =	vld.idx.msk [tilespmem:v21+s2+$0x0], $0xffff;
	_ =	sdelay $0x1  }
0x15f: {  	v26 =	vld [tilespmem:$0x6D0]  }
0x160: {  	v2 =	vmul.f32 v23, v1;
	_ =	sdelay $0x1  }
0x161: {  	v27 =	vmul.f32 v25, v0;
	v2 =	vadd.f32 v2, v24;
	_ =	sdelay $0x1  }
0x162: {  	v2 =	vadd.f32 v27, v2  }
0x163: {  	v28 =	vld [tilespmem:$0xAD0]  }
0x164: {  	v30 =	vld [tilespmem:$0xED0];
	[tilespmem:$0x12C0] =	vst v2  }
0x165: {  	v29 =	vld.idx.msk [tilespmem:v26+s2+$0x0], $0xffff;
	_ =	sdelay $0x1  }
0x166: {  	v31 =	vld [tilespmem:$0x6E0]  }
0x167: {  	v2 =	vmul.f32 v28, v1;
	_ =	sdelay $0x1  }
0x168: {  	v32 =	vmul.f32 v30, v0;
	v2 =	vadd.f32 v2, v29;
	_ =	sdelay $0x1  }
0x169: {  	v2 =	vadd.f32 v32, v2  }
0x16a: {  	v33 =	vld [tilespmem:$0xAE0]  }
0x16b: {  	v35 =	vld [tilespmem:$0xEE0];
	[tilespmem:$0x12D0] =	vst v2  }
0x16c: {  	v34 =	vld.idx.msk [tilespmem:v31+s2+$0x0], $0xffff;
	_ =	sdelay $0x1  }
0x16d: {  	v36 =	vld [tilespmem:$0x6F0]  }
0x16e: {  	v2 =	vmul.f32 v33, v1;
	_ =	sdelay $0x1  }
0x16f: {  	v37 =	vmul.f32 v35, v0;
	v2 =	vadd.f32 v2, v34;
	_ =	sdelay $0x1  }
0x170: {  	v2 =	vadd.f32 v37, v2  }
0x171: {  	v38 =	vld [tilespmem:$0xAF0]  }
0x172: {  	v40 =	vld [tilespmem:$0xEF0];
	[tilespmem:$0x12E0] =	vst v2  }
0x173: {  	v39 =	vld.idx.msk [tilespmem:v36+s2+$0x0], $0xffff;
	_ =	sdelay $0x2  }
0x174: {  	v2 =	vmul.f32 v38, v1;
	_ =	sdelay $0x1  }
0x175: {  	v41 =	vmul.f32 v40, v0;
	v2 =	vadd.f32 v2, v39;
	_ =	sdelay $0x1  }
0x176: {  	v2 =	vadd.f32 v41, v2;
	_ =	sdelay $0x1  }
0x177: {  	s29 =	simm.s32 $0x1200;
	s28 =	sadd.s32 $0x40, s3;
	[tilespmem:$0x12F0] =	vst v2  }
0x178: {  	[hbm4b:s28+s2] =	stream.linear.scatter [tilespmem:s29], [sflag:$0x2], $0x100, $0x38;
	[tilespmem:$0x1480] =	vst v63  }
0x179: {  	v42 =	vld [tilespmem:$0x700];
	_ =	sdelay $0x5  }
0x17a: {  	v43 =	vld [tilespmem:$0xB00]  }
0x17b: {  	v44 =	vld [tilespmem:$0xF00]  }
0x17c: {  	v2 =	vld.idx.msk [tilespmem:v42+s2+$0x0], $0xffff;
	_ =	sdelay $0x1  }
0x17d: {  	v45 =	vld [tilespmem:$0x710]  }
0x17e: {  	v3 =	vmul.f32 v43, v1;
	_ =	sdelay $0x1  }
0x17f: {  	v46 =	vmul.f32 v44, v0;
	v2 =	vadd.f32 v3, v2;
	_ =	sdelay $0x1  }
0x180: {  	v2 =	vadd.f32 v46, v2  }
0x181: {  	v47 =	vld [tilespmem:$0xB10]  }
0x182: {  	v49 =	vld [tilespmem:$0xF10];
	[tilespmem:$0x1300] =	vst v2  }
0x183: {  	v48 =	vld.idx.msk [tilespmem:v45+s2+$0x0], $0xffff;
	_ =	sdelay $0x1  }
0x184: {  	v50 =	vld [tilespmem:$0x720]  }
0x185: {  	v2 =	vmul.f32 v47, v1;
	_ =	sdelay $0x1  }
0x186: {  	v51 =	vmul.f32 v49, v0;
	v2 =	vadd.f32 v2, v48;
	_ =	sdelay $0x1  }
0x187: {  	v2 =	vadd.f32 v51, v2  }
0x188: {  	v52 =	vld [tilespmem:$0xB20]  }
0x189: {  	v54 =	vld [tilespmem:$0xF20];
	[tilespmem:$0x1310] =	vst v2  }
0x18a: {  	v53 =	vld.idx.msk [tilespmem:v50+s2+$0x0], $0xffff;
	_ =	sdelay $0x1  }
0x18b: {  	v55 =	vld [tilespmem:$0x730]  }
0x18c: {  	v2 =	vmul.f32 v52, v1;
	_ =	sdelay $0x1  }
0x18d: {  	v56 =	vmul.f32 v54, v0;
	v2 =	vadd.f32 v2, v53;
	_ =	sdelay $0x1  }
0x18e: {  	v2 =	vadd.f32 v56, v2  }
0x18f: {  	v57 =	vld [tilespmem:$0xB30]  }
0x190: {  	v59 =	vld [tilespmem:$0xF30];
	[tilespmem:$0x1320] =	vst v2  }
0x191: {  	v58 =	vld.idx.msk [tilespmem:v55+s2+$0x0], $0xffff;
	_ =	sdelay $0x1  }
0x192: {  	v60 =	vld [tilespmem:$0x740]  }
0x193: {  	v2 =	vmul.f32 v57, v1;
	_ =	sdelay $0x1  }
0x194: {  	v61 =	vmul.f32 v59, v0;
	v2 =	vadd.f32 v2, v58;
	_ =	sdelay $0x1  }
0x195: {  	v2 =	vadd.f32 v61, v2  }
0x196: {  	v62 =	vld [tilespmem:$0xB40]  }
0x197: {  	v8 =	vld [tilespmem:$0xF40];
	[tilespmem:$0x1330] =	vst v2  }
0x198: {  	v63 =	vld.idx.msk [tilespmem:v60+s2+$0x0], $0xffff;
	_ =	sdelay $0x1  }
0x199: {  	v9 =	vld [tilespmem:$0x750]  }
0x19a: {  	v2 =	vmul.f32 v62, v1;
	_ =	sdelay $0x1  }
0x19b: {  	v10 =	vmul.f32 v8, v0;
	v2 =	vadd.f32 v2, v63;
	_ =	sdelay $0x1  }
0x19c: {  	v2 =	vadd.f32 v10, v2  }
0x19d: {  	v11 =	vld [tilespmem:$0xB50]  }
0x19e: {  	v13 =	vld [tilespmem:$0xF50];
	[tilespmem:$0x1340] =	vst v2  }
0x19f: {  	v12 =	vld.idx.msk [tilespmem:v9+s2+$0x0], $0xffff;
	_ =	sdelay $0x1  }
0x1a0: {  	v14 =	vld [tilespmem:$0x760]  }
0x1a1: {  	v2 =	vmul.f32 v11, v1;
	_ =	sdelay $0x1  }
0x1a2: {  	v15 =	vmul.f32 v13, v0;
	v2 =	vadd.f32 v2, v12;
	_ =	sdelay $0x1  }
0x1a3: {  	v2 =	vadd.f32 v15, v2  }
0x1a4: {  	v16 =	vld [tilespmem:$0xB60]  }
0x1a5: {  	v18 =	vld [tilespmem:$0xF60];
	[tilespmem:$0x1350] =	vst v2  }
0x1a6: {  	v17 =	vld.idx.msk [tilespmem:v14+s2+$0x0], $0xffff;
	_ =	sdelay $0x1  }
0x1a7: {  	v19 =	vld [tilespmem:$0x770]  }
0x1a8: {  	v2 =	vmul.f32 v16, v1;
	_ =	sdelay $0x1  }
0x1a9: {  	v20 =	vmul.f32 v18, v0;
	v2 =	vadd.f32 v2, v17;
	_ =	sdelay $0x1  }
0x1aa: {  	v2 =	vadd.f32 v20, v2  }
0x1ab: {  	v21 =	vld [tilespmem:$0xB70]  }
0x1ac: {  	v23 =	vld [tilespmem:$0xF70];
	[tilespmem:$0x1360] =	vst v2  }
0x1ad: {  	v22 =	vld.idx.msk [tilespmem:v19+s2+$0x0], $0xffff;
	_ =	sdelay $0x1  }
0x1ae: {  	v24 =	vld [tilespmem:$0x780]  }
0x1af: {  	v2 =	vmul.f32 v21, v1;
	_ =	sdelay $0x1  }
0x1b0: {  	v25 =	vmul.f32 v23, v0;
	v2 =	vadd.f32 v2, v22;
	_ =	sdelay $0x1  }
0x1b1: {  	v2 =	vadd.f32 v25, v2  }
0x1b2: {  	v26 =	vld [tilespmem:$0xB80]  }
0x1b3: {  	v28 =	vld [tilespmem:$0xF80];
	[tilespmem:$0x1370] =	vst v2  }
0x1b4: {  	v27 =	vld.idx.msk [tilespmem:v24+s2+$0x0], $0xffff;
	_ =	sdelay $0x1  }
0x1b5: {  	v29 =	vld [tilespmem:$0x790]  }
0x1b6: {  	v2 =	vmul.f32 v26, v1;
	_ =	sdelay $0x1  }
0x1b7: {  	v30 =	vmul.f32 v28, v0;
	v2 =	vadd.f32 v2, v27;
	_ =	sdelay $0x1  }
0x1b8: {  	v2 =	vadd.f32 v30, v2  }
0x1b9: {  	v31 =	vld [tilespmem:$0xB90]  }
0x1ba: {  	v33 =	vld [tilespmem:$0xF90];
	[tilespmem:$0x1380] =	vst v2  }
0x1bb: {  	v32 =	vld.idx.msk [tilespmem:v29+s2+$0x0], $0xffff;
	_ =	sdelay $0x1  }
0x1bc: {  	v34 =	vld [tilespmem:$0x7A0]  }
0x1bd: {  	v2 =	vmul.f32 v31, v1;
	_ =	sdelay $0x1  }
0x1be: {  	v35 =	vmul.f32 v33, v0;
	v2 =	vadd.f32 v2, v32;
	_ =	sdelay $0x1  }
0x1bf: {  	v2 =	vadd.f32 v35, v2  }
0x1c0: {  	v36 =	vld [tilespmem:$0xBA0]  }
0x1c1: {  	v38 =	vld [tilespmem:$0xFA0];
	[tilespmem:$0x1390] =	vst v2  }
0x1c2: {  	v37 =	vld.idx.msk [tilespmem:v34+s2+$0x0], $0xffff;
	_ =	sdelay $0x1  }
0x1c3: {  	v39 =	vld [tilespmem:$0x7B0]  }
0x1c4: {  	v2 =	vmul.f32 v36, v1;
	_ =	sdelay $0x1  }
0x1c5: {  	v40 =	vmul.f32 v38, v0;
	v2 =	vadd.f32 v2, v37;
	_ =	sdelay $0x1  }
0x1c6: {  	v2 =	vadd.f32 v40, v2  }
0x1c7: {  	v41 =	vld [tilespmem:$0xBB0]  }
0x1c8: {  	v43 =	vld [tilespmem:$0xFB0];
	[tilespmem:$0x13A0] =	vst v2  }
0x1c9: {  	v42 =	vld.idx.msk [tilespmem:v39+s2+$0x0], $0xffff;
	_ =	sdelay $0x1  }
0x1ca: {  	v44 =	vld [tilespmem:$0x7C0]  }
0x1cb: {  	v2 =	vmul.f32 v41, v1;
	_ =	sdelay $0x1  }
0x1cc: {  	v45 =	vmul.f32 v43, v0;
	v2 =	vadd.f32 v2, v42;
	_ =	sdelay $0x1  }
0x1cd: {  	v2 =	vadd.f32 v45, v2  }
0x1ce: {  	v46 =	vld [tilespmem:$0xBC0]  }
0x1cf: {  	v48 =	vld [tilespmem:$0xFC0];
	[tilespmem:$0x13B0] =	vst v2  }
0x1d0: {  	v47 =	vld.idx.msk [tilespmem:v44+s2+$0x0], $0xffff;
	_ =	sdelay $0x1  }
0x1d1: {  	v49 =	vld [tilespmem:$0x7D0]  }
0x1d2: {  	v2 =	vmul.f32 v46, v1;
	_ =	sdelay $0x1  }
0x1d3: {  	v50 =	vmul.f32 v48, v0;
	v2 =	vadd.f32 v2, v47;
	_ =	sdelay $0x1  }
0x1d4: {  	v2 =	vadd.f32 v50, v2  }
0x1d5: {  	v51 =	vld [tilespmem:$0xBD0]  }
0x1d6: {  	v53 =	vld [tilespmem:$0xFD0];
	[tilespmem:$0x13C0] =	vst v2  }
0x1d7: {  	v52 =	vld.idx.msk [tilespmem:v49+s2+$0x0], $0xffff;
	_ =	sdelay $0x1  }
0x1d8: {  	v54 =	vld [tilespmem:$0x7E0]  }
0x1d9: {  	v2 =	vmul.f32 v51, v1;
	_ =	sdelay $0x1  }
0x1da: {  	v55 =	vmul.f32 v53, v0;
	v2 =	vadd.f32 v2, v52;
	_ =	sdelay $0x1  }
0x1db: {  	v2 =	vadd.f32 v55, v2  }
0x1dc: {  	v56 =	vld [tilespmem:$0xBE0]  }
0x1dd: {  	v58 =	vld [tilespmem:$0xFE0];
	[tilespmem:$0x13D0] =	vst v2  }
0x1de: {  	v57 =	vld.idx.msk [tilespmem:v54+s2+$0x0], $0xffff;
	_ =	sdelay $0x1  }
0x1df: {  	v59 =	vld [tilespmem:$0x7F0]  }
0x1e0: {  	v2 =	vmul.f32 v56, v1;
	_ =	sdelay $0x1  }
0x1e1: {  	v60 =	vmul.f32 v58, v0;
	v2 =	vadd.f32 v2, v57;
	_ =	sdelay $0x1  }
0x1e2: {  	v2 =	vadd.f32 v60, v2  }
0x1e3: {  	v61 =	vld [tilespmem:$0xBF0]  }
0x1e4: {  	v63 =	vld [tilespmem:$0xFF0];
	[tilespmem:$0x13E0] =	vst v2  }
0x1e5: {  	v62 =	vld.idx.msk [tilespmem:v59+s2+$0x0], $0xffff;
	_ =	sdelay $0x2  }
0x1e6: {  	v1 =	vmul.f32 v61, v1;
	_ =	sdelay $0x1  }
0x1e7: {  	v0 =	vmul.f32 v63, v0;
	v1 =	vadd.f32 v1, v62;
	_ =	sdelay $0x1  }
0x1e8: {  	v0 =	vadd.f32 v0, v1;
	_ =	sdelay $0x1  }
0x1e9: {  	s30 =	simm.s32 $0x1300;
	s31 =	simm.s32 $0x2;
	s3 =	sadd.s32 $0x60, s3;
	[tilespmem:$0x13F0] =	vst v0  }
0x1ea: {  	[hbm4b:s3+s2] =	stream.linear.scatter [tilespmem:s30], [sflag:$0x2], $0x100, $0x38;
	[tilespmem:$0x1480] =	vst v63  }
0x1eb: {  	_ =	swait.ge [sflag:s31], $0x100  }
0x1ec: {  	[sflag:s31] =	ssyncset.done $0x0  }
0x1ed: {  	[sflag:s31] =	ssyncadd.s32 $0xFFFFFF00  }
0x1ee: {  	_ =	swait.ge [sflag:s31], $0x100  }
0x1ef: {  	[sflag:s31] =	ssyncset.done $0x0  }
0x1f0: {  	[sflag:s31] =	ssyncadd.s32 $0xFFFFFF00  }
0x1f1: {  	_ =	swait.ge [sflag:s31], $0x100  }
0x1f2: {  	[sflag:s31] =	ssyncset.done $0x0  }
0x1f3: {  	[sflag:s31] =	ssyncadd.s32 $0xFFFFFF00  }
0x1f4: {  	_ =	swait.ge [sflag:s31], $0x100  }
0x1f5: {  	[sflag:s31] =	ssyncset.done $0x0  }
0x1f6: {  	[sflag:s31] =	ssyncadd.s32 $0xFFFFFF00  }
0x1f7: {  	_ =	sfence.sel $0x180000  }
0x1f8: {  	[bflag:$0x0] =	sbarrier.arrive $0xFFFF  }
0x1f9: {  	p0 =	sne.s32 s1, $0x0;
	_ =	strace $0x90000047  }
0x1fa: {  	s0 =	sadd.s32 @!p0 $0x100000, s0;
	[bflag:$0x2] =	sbarrier.arrive $0xFFFF  }
0x1fb: {  	[sflag:s0] =	ssyncadd.tile.s32 @!p0 $0x1;
	_ =	shalt  }
.Lfunc_end2:
_tile_overlayer_lowered:
.L_overlay_start_2:
0x1fc: {  	(tag) =	ssettag $0x2  }
0x1fd: {  	s0 =	rddreg [dreg:$0x0];
	s2 =	stileid.u32  }
0x1fe: {  	s1 =	rddreg [dreg:$0x1];
	p0 =	sne.s32 s2, $0x0  }
0x1ff: {  	s3 =	rddreg [dreg:$0x2];
	[bflag:$0x3] =	sbarrier.arrive $0xFFFF;
	s2 =	simm.s32 @!p0 $0x1C03  }
0x200: {  	[timem:s3], [sflag:s2] =	dma.local @!p0 [hbm:s0], s1  }
0x201: {  	s0 =	simm.s32 @!p0 $0x3  }
0x202: {  	_ =	swait.ge @!p0 [sflag:s0], s1  }
0x203: {  	s1 =	ssub.s32 @!p0 $0x0, s1;
	[sflag:s0] =	ssyncset.done @!p0 $0x0  }
0x204: {  	[sflag:s0] =	ssyncadd.s32 @!p0 s1  }
0x205: {  	[bflag:$0x3] =	sbarrier.arrive $0xFFFF  }
0x206: {  	_ =	shalt  }

</sc_bundles>
